<compile_context>
chip_gen: v7x
topology: tpu7x:2x2x1
jax: 0.10.2.dev20260603
libtpu: 0.0.44.dev20260713+nightly
codegen_flags: <defaults>
</compile_context>

<pallas_src>
import functools

import jax
import jax.numpy as jnp
from jax import lax
from jax.experimental import pallas as pl
from jax.experimental.pallas import tpu as pltpu
from jax.experimental.pallas import tpu_sc as plsc

ROWS = 64
N = 8192
K = 1639
L = 16
NV = N // L
UNROLL = 8

NUM_CORES = 2
NUM_SUBCORES = 16
NUM_WORKERS = NUM_CORES * NUM_SUBCORES
ROWS_PER_WORKER = ROWS // NUM_WORKERS

_SIGN_FIX = 0x7FFFFFFF
_INT_MIN = -(2**31)


def _threshold_vec(c):
    bits = jnp.where(c < 0, jnp.bitwise_xor(c, jnp.int32(_SIGN_FIX)), c)
    t = lax.bitcast_convert_type(bits, jnp.float32)
    return jnp.full((L,), t, dtype=jnp.float32)


def _count_ge(d_ref, c):
    tvec = _threshold_vec(c)
    ones = jnp.ones((L,), jnp.int32)

    def body(j, accs):
        base = j * (UNROLL * L)
        new = []
        for u in range(UNROLL):
            v = d_ref[pl.ds(base + u * L, L)]
            a = accs[u]
            new.append(jnp.where(v >= tvec, a + ones, a))
        return tuple(new)

    accs = lax.fori_loop(
        0, NV // UNROLL, body,
        tuple(jnp.zeros((L,), jnp.int32) for _ in range(UNROLL)),
    )
    tot = accs[0]
    for u in range(1, UNROLL):
        tot = tot + accs[u]
    iota = lax.iota(jnp.int32, L)
    for step in (1, 2, 4, 8):
        tot = tot + tot[jnp.bitwise_xor(iota, jnp.int32(step))]
    return tot[0]


def _kwta_body(x_hbm, out_hbm, d_ref):
    cid = lax.axis_index("c")
    sid = lax.axis_index("s")
    wid = sid * NUM_CORES + cid

    for r in range(ROWS_PER_WORKER):
        row = wid * ROWS_PER_WORKER + r
        pltpu.sync_copy(x_hbm.at[row], d_ref)

        cnt0 = _count_ge(d_ref, jnp.int32(0))
        p0 = jnp.where(cnt0 >= K, jnp.int32(0), jnp.int32(_INT_MIN))

        def bit_body(i, p):
            c = jnp.bitwise_or(p, jnp.int32(1) << (jnp.int32(30) - i))
            cnt = _count_ge(d_ref, c)
            return jnp.where(cnt >= K, c, p)

        p = lax.fori_loop(0, 31, bit_body, p0)

        tvec = _threshold_vec(p)
        zero = jnp.zeros((L,), jnp.float32)

        def mask_body(j, carry):
            base = j * (UNROLL * L)
            for u in range(UNROLL):
                v = d_ref[pl.ds(base + u * L, L)]
                d_ref[pl.ds(base + u * L, L)] = jnp.where(v >= tvec, v, zero)
            return carry

        lax.fori_loop(0, NV // UNROLL, mask_body, jnp.int32(0))

        pltpu.sync_copy(d_ref, out_hbm.at[row])


@jax.jit
def kernel(inputs):
    mesh = plsc.VectorSubcoreMesh(
        core_axis_name="c", subcore_axis_name="s",
        num_cores=NUM_CORES, num_subcores=NUM_SUBCORES,
    )
    f = pl.kernel(
        _kwta_body,
        out_type=jax.ShapeDtypeStruct((ROWS, N), jnp.float32),
        mesh=mesh,
        scratch_types=[pltpu.VMEM((N,), jnp.float32)],
    )
    return f(inputs)

# --- scband reference (transcript-rebuilt; emitter-appended) ---
"""Pipeline reference for scband-kwta-40673340293744 (READ-ONLY COPY).

The authoritative reference and input builder live on the scoring server;
editing this copy changes nothing except your own understanding.
"""

import jax, jax.numpy as jnp
import numpy as np

RATIO = 0.2
DIM = 8192

def setup_inputs(seed: int = 0) -> dict:
    key = jax.random.key(seed)
    inputs = jax.random.normal(key, (64, 8192), dtype=jnp.float32)
    return {"inputs": inputs}

def reference(inputs):
    # k = ceil(ratio * dim), dim = prod of non-batch dims = 8192
    k = int(np.ceil(RATIO * DIM))
    # kth largest value per row (top_k sorted, take last of the k)
    kths_largest = jax.lax.top_k(inputs, k)[0][:, -1]
    # zero out everything strictly below the kth largest
    outputs = jnp.where(inputs < kths_largest[:, None], 0.0, inputs)
    return outputs

if __name__ == "__main__":
    import jax
    _d = setup_inputs()
    print(jax.jit(kernel)(*tuple(_d.values())))

</pallas_src>

<mosaic_0001>
#map = affine_map<(d0, d1) -> (0, 0)>
module attributes {stable_mosaic.version = 14 : i64} {
  func.func @_kwta_body(%arg0: i32, %arg1: i32, %arg2: memref<64x8192xf32, #tpu.memory_space<hbm>>, %arg3: memref<64x8192xf32, #tpu.memory_space<hbm>>, %arg4: memref<8192xf32, #tpu.memory_space<vmem>>) attributes {dimension_semantics = [#tpu.dimension_semantics<core_parallel>, #tpu.dimension_semantics<subcore_parallel>], iteration_bounds = array<i64: 2, 16>, scalar_prefetch = 0 : i64, scratch_operands = 1 : i64, tpu.core_type = #tpu.core_type<sc_vector_subcore>, window_params = [{transform_indices = #map}, {transform_indices = #map}]} {
    %mul3A = arith.constant 2 : i32
    %mul3A_0 = arith.muli %arg1, %mul3A : i32
    %add3A = arith.addi %mul3A_0, %arg0 : i32
    %mul3A_1 = arith.constant 2 : i32
    %mul3A_2 = arith.muli %add3A, %mul3A_1 : i32
    %add3A_3 = arith.constant 0 : i32
    %add3A_4 = arith.addi %mul3A_2, %add3A_3 : i32
    "tpu.region"() ({
      %run_scoped3A = tpu.sem_alloc : memref<!tpu.dma_semaphore, #tpu.memory_space<semaphore_mem>>
      %dma_start3A = arith.constant 0 : i32
      %dma_start3A_249 = tpu.memref_slice %arg2[%add3A_4, %dma_start3A] : memref<64x8192xf32, #tpu.memory_space<hbm>> -> memref<1x8192xf32, #tpu.memory_space<hbm>>
      %dma_start3A_250 = tpu.memref_squeeze %dma_start3A_249 : memref<1x8192xf32, #tpu.memory_space<hbm>> -> memref<8192xf32, #tpu.memory_space<hbm>>
      %dma_start3A_251 = arith.constant 0 : i32
      %dma_start3A_252 = tpu.memref_slice %arg2[%add3A_4, %dma_start3A_251] : memref<64x8192xf32, #tpu.memory_space<hbm>> -> memref<1x8192xf32, #tpu.memory_space<hbm>>
      %dma_start3A_253 = tpu.memref_squeeze %dma_start3A_252 : memref<1x8192xf32, #tpu.memory_space<hbm>> -> memref<8192xf32, #tpu.memory_space<hbm>>
      tpu.enqueue_dma source(%dma_start3A_253 : memref<8192xf32, #tpu.memory_space<hbm>>) target(%arg4 : memref<8192xf32, #tpu.memory_space<vmem>>) target_semaphore(%run_scoped3A : memref<!tpu.dma_semaphore, #tpu.memory_space<semaphore_mem>>)
      %dma_wait3A = arith.constant 0 : i32
      %dma_wait3A_254 = tpu.memref_slice %arg2[%add3A_4, %dma_wait3A] : memref<64x8192xf32, #tpu.memory_space<hbm>> -> memref<1x8192xf32, #tpu.memory_space<hbm>>
      %dma_wait3A_255 = tpu.memref_squeeze %dma_wait3A_254 : memref<1x8192xf32, #tpu.memory_space<hbm>> -> memref<8192xf32, #tpu.memory_space<hbm>>
      %dma_wait3A_256 = arith.constant 0 : i32
      %dma_wait3A_257 = tpu.memref_slice %arg2[%add3A_4, %dma_wait3A_256] : memref<64x8192xf32, #tpu.memory_space<hbm>> -> memref<1x8192xf32, #tpu.memory_space<hbm>>
      %dma_wait3A_258 = tpu.memref_squeeze %dma_wait3A_257 : memref<1x8192xf32, #tpu.memory_space<hbm>> -> memref<8192xf32, #tpu.memory_space<hbm>>
      tpu.wait_dma2 semaphore(%run_scoped3A : memref<!tpu.dma_semaphore, #tpu.memory_space<semaphore_mem>>) src(%dma_wait3A_258 : memref<8192xf32, #tpu.memory_space<hbm>>) dst(%arg4 : memref<8192xf32, #tpu.memory_space<vmem>>)
      tpu.yield
    }) : () -> ()
    %lt3A = arith.constant 0 : i32
    %lt3A_5 = arith.constant 0 : i32
    %lt3A_6 = arith.cmpi slt, %lt3A, %lt3A_5 : i32
    %xor3A = arith.constant 0 : i32
    %xor3A_7 = arith.constant 2147483647 : i32
    %xor3A_8 = arith.xori %xor3A, %xor3A_7 : i32
    %jit3A = arith.constant 0 : i32
    %select_n3A = arith.select %lt3A_6, %xor3A_8, %jit3A : i32
    %bitcast_convert_type3A = arith.bitcast %select_n3A : i32 to f32
    %broadcast_in_dim3A = vector.broadcast %bitcast_convert_type3A : f32 to vector<16xf32>
    %broadcast_in_dim3A_9 = arith.constant 1 : i32
    %broadcast_in_dim3A_10 = vector.broadcast %broadcast_in_dim3A_9 : i32 to vector<16xi32>
    %broadcast_in_dim3A_11 = arith.constant 0 : i32
    %broadcast_in_dim3A_12 = vector.broadcast %broadcast_in_dim3A_11 : i32 to vector<16xi32>
    %broadcast_in_dim3A_13 = arith.constant 0 : i32
    %broadcast_in_dim3A_14 = vector.broadcast %broadcast_in_dim3A_13 : i32 to vector<16xi32>
    %broadcast_in_dim3A_15 = arith.constant 0 : i32
    %broadcast_in_dim3A_16 = vector.broadcast %broadcast_in_dim3A_15 : i32 to vector<16xi32>
    %broadcast_in_dim3A_17 = arith.constant 0 : i32
    %broadcast_in_dim3A_18 = vector.broadcast %broadcast_in_dim3A_17 : i32 to vector<16xi32>
    %broadcast_in_dim3A_19 = arith.constant 0 : i32
    %broadcast_in_dim3A_20 = vector.broadcast %broadcast_in_dim3A_19 : i32 to vector<16xi32>
    %broadcast_in_dim3A_21 = arith.constant 0 : i32
    %broadcast_in_dim3A_22 = vector.broadcast %broadcast_in_dim3A_21 : i32 to vector<16xi32>
    %broadcast_in_dim3A_23 = arith.constant 0 : i32
    %broadcast_in_dim3A_24 = vector.broadcast %broadcast_in_dim3A_23 : i32 to vector<16xi32>
    %broadcast_in_dim3A_25 = arith.constant 0 : i32
    %broadcast_in_dim3A_26 = vector.broadcast %broadcast_in_dim3A_25 : i32 to vector<16xi32>
    %scan3A = arith.constant 0 : i32
    %scan3A_27 = arith.constant 64 : i32
    %scan3A_28 = arith.addi %scan3A, %scan3A_27 : i32
    %scan3A_29 = arith.constant 1 : i32
    %scan3A_30:8 = scf.for %scan3A_249 = %scan3A to %scan3A_28 step %scan3A_29 iter_args(%scan3A_250 = %broadcast_in_dim3A_12, %scan3A_251 = %broadcast_in_dim3A_14, %scan3A_252 = %broadcast_in_dim3A_16, %scan3A_253 = %broadcast_in_dim3A_18, %scan3A_254 = %broadcast_in_dim3A_20, %scan3A_255 = %broadcast_in_dim3A_22, %scan3A_256 = %broadcast_in_dim3A_24, %scan3A_257 = %broadcast_in_dim3A_26) -> (vector<16xi32>, vector<16xi32>, vector<16xi32>, vector<16xi32>, vector<16xi32>, vector<16xi32>, vector<16xi32>, vector<16xi32>)  : i32 {
      %mul3A_258 = arith.constant 128 : i32
      %mul3A_259 = arith.muli %scan3A_249, %mul3A_258 : i32
      %add3A_260 = arith.constant 0 : i32
      %add3A_261 = arith.addi %mul3A_259, %add3A_260 : i32
      %get3A = arith.index_cast %add3A_261 : i32 to index
      %get3A_262 = tpu.vector_load %arg4[%get3A] {strides = array<i32>} : memref<8192xf32, #tpu.memory_space<vmem>>, vector<16xf32>,
      %get3A_263 = vector.shape_cast %get3A_262 : vector<16xf32> to vector<16xf32>
      %ge3A_264 = arith.cmpf oge, %get3A_263, %broadcast_in_dim3A : vector<16xf32>
      %add3A_265 = arith.addi %scan3A_250, %broadcast_in_dim3A_10 : vector<16xi32>
      %select_n3A_266 = arith.select %ge3A_264, %add3A_265, %scan3A_250 : vector<16xi1>, vector<16xi32>
      %add3A_267 = arith.constant 16 : i32
      %add3A_268 = arith.addi %mul3A_259, %add3A_267 : i32
      %get3A_269 = arith.index_cast %add3A_268 : i32 to index
      %get3A_270 = tpu.vector_load %arg4[%get3A_269] {strides = array<i32>} : memref<8192xf32, #tpu.memory_space<vmem>>, vector<16xf32>,
      %get3A_271 = vector.shape_cast %get3A_270 : vector<16xf32> to vector<16xf32>
      %ge3A_272 = arith.cmpf oge, %get3A_271, %broadcast_in_dim3A : vector<16xf32>
      %add3A_273 = arith.addi %scan3A_251, %broadcast_in_dim3A_10 : vector<16xi32>
      %select_n3A_274 = arith.select %ge3A_272, %add3A_273, %scan3A_251 : vector<16xi1>, vector<16xi32>
      %add3A_275 = arith.constant 32 : i32
      %add3A_276 = arith.addi %mul3A_259, %add3A_275 : i32
      %get3A_277 = arith.index_cast %add3A_276 : i32 to index
      %get3A_278 = tpu.vector_load %arg4[%get3A_277] {strides = array<i32>} : memref<8192xf32, #tpu.memory_space<vmem>>, vector<16xf32>,
      %get3A_279 = vector.shape_cast %get3A_278 : vector<16xf32> to vector<16xf32>
      %ge3A_280 = arith.cmpf oge, %get3A_279, %broadcast_in_dim3A : vector<16xf32>
      %add3A_281 = arith.addi %scan3A_252, %broadcast_in_dim3A_10 : vector<16xi32>
      %select_n3A_282 = arith.select %ge3A_280, %add3A_281, %scan3A_252 : vector<16xi1>, vector<16xi32>
      %add3A_283 = arith.constant 48 : i32
      %add3A_284 = arith.addi %mul3A_259, %add3A_283 : i32
      %get3A_285 = arith.index_cast %add3A_284 : i32 to index
      %get3A_286 = tpu.vector_load %arg4[%get3A_285] {strides = array<i32>} : memref<8192xf32, #tpu.memory_space<vmem>>, vector<16xf32>,
      %get3A_287 = vector.shape_cast %get3A_286 : vector<16xf32> to vector<16xf32>
      %ge3A_288 = arith.cmpf oge, %get3A_287, %broadcast_in_dim3A : vector<16xf32>
      %add3A_289 = arith.addi %scan3A_253, %broadcast_in_dim3A_10 : vector<16xi32>
      %select_n3A_290 = arith.select %ge3A_288, %add3A_289, %scan3A_253 : vector<16xi1>, vector<16xi32>
      %add3A_291 = arith.constant 64 : i32
      %add3A_292 = arith.addi %mul3A_259, %add3A_291 : i32
      %get3A_293 = arith.index_cast %add3A_292 : i32 to index
      %get3A_294 = tpu.vector_load %arg4[%get3A_293] {strides = array<i32>} : memref<8192xf32, #tpu.memory_space<vmem>>, vector<16xf32>,
      %get3A_295 = vector.shape_cast %get3A_294 : vector<16xf32> to vector<16xf32>
      %ge3A_296 = arith.cmpf oge, %get3A_295, %broadcast_in_dim3A : vector<16xf32>
      %add3A_297 = arith.addi %scan3A_254, %broadcast_in_dim3A_10 : vector<16xi32>
      %select_n3A_298 = arith.select %ge3A_296, %add3A_297, %scan3A_254 : vector<16xi1>, vector<16xi32>
      %add3A_299 = arith.constant 80 : i32
      %add3A_300 = arith.addi %mul3A_259, %add3A_299 : i32
      %get3A_301 = arith.index_cast %add3A_300 : i32 to index
      %get3A_302 = tpu.vector_load %arg4[%get3A_301] {strides = array<i32>} : memref<8192xf32, #tpu.memory_space<vmem>>, vector<16xf32>,
      %get3A_303 = vector.shape_cast %get3A_302 : vector<16xf32> to vector<16xf32>
      %ge3A_304 = arith.cmpf oge, %get3A_303, %broadcast_in_dim3A : vector<16xf32>
      %add3A_305 = arith.addi %scan3A_255, %broadcast_in_dim3A_10 : vector<16xi32>
      %select_n3A_306 = arith.select %ge3A_304, %add3A_305, %scan3A_255 : vector<16xi1>, vector<16xi32>
      %add3A_307 = arith.constant 96 : i32
      %add3A_308 = arith.addi %mul3A_259, %add3A_307 : i32
      %get3A_309 = arith.index_cast %add3A_308 : i32 to index
      %get3A_310 = tpu.vector_load %arg4[%get3A_309] {strides = array<i32>} : memref<8192xf32, #tpu.memory_space<vmem>>, vector<16xf32>,
      %get3A_311 = vector.shape_cast %get3A_310 : vector<16xf32> to vector<16xf32>
      %ge3A_312 = arith.cmpf oge, %get3A_311, %broadcast_in_dim3A : vector<16xf32>
      %add3A_313 = arith.addi %scan3A_256, %broadcast_in_dim3A_10 : vector<16xi32>
      %select_n3A_314 = arith.select %ge3A_312, %add3A_313, %scan3A_256 : vector<16xi1>, vector<16xi32>
      %add3A_315 = arith.constant 112 : i32
      %add3A_316 = arith.addi %mul3A_259, %add3A_315 : i32
      %get3A_317 = arith.index_cast %add3A_316 : i32 to index
      %get3A_318 = tpu.vector_load %arg4[%get3A_317] {strides = array<i32>} : memref<8192xf32, #tpu.memory_space<vmem>>, vector<16xf32>,
      %get3A_319 = vector.shape_cast %get3A_318 : vector<16xf32> to vector<16xf32>
      %ge3A_320 = arith.cmpf oge, %get3A_319, %broadcast_in_dim3A : vector<16xf32>
      %add3A_321 = arith.addi %scan3A_257, %broadcast_in_dim3A_10 : vector<16xi32>
      %select_n3A_322 = arith.select %ge3A_320, %add3A_321, %scan3A_257 : vector<16xi1>, vector<16xi32>
      scf.yield %select_n3A_266, %select_n3A_274, %select_n3A_282, %select_n3A_290, %select_n3A_298, %select_n3A_306, %select_n3A_314, %select_n3A_322 : vector<16xi32>, vector<16xi32>, vector<16xi32>, vector<16xi32>, vector<16xi32>, vector<16xi32>, vector<16xi32>, vector<16xi32>
    }
    %scan3A_31 = arith.constant 64 : i32
    %add3A_32 = arith.addi %scan3A_30#0, %scan3A_30#1 : vector<16xi32>
    %add3A_33 = arith.addi %add3A_32, %scan3A_30#2 : vector<16xi32>
    %add3A_34 = arith.addi %add3A_33, %scan3A_30#3 : vector<16xi32>
    %add3A_35 = arith.addi %add3A_34, %scan3A_30#4 : vector<16xi32>
    %add3A_36 = arith.addi %add3A_35, %scan3A_30#5 : vector<16xi32>
    %add3A_37 = arith.addi %add3A_36, %scan3A_30#6 : vector<16xi32>
    %add3A_38 = arith.addi %add3A_37, %scan3A_30#7 : vector<16xi32>
    %iota3A = tpu.iota {dimensions = array<i32: 0>} : vector<16xi32>
    %xor3A_39 = arith.constant 1 : i32
    %xor3A_40 = vector.broadcast %xor3A_39 : i32 to vector<16xi32>
    %xor3A_41 = arith.xori %iota3A, %xor3A_40 : vector<16xi32>
    %lt3A_42 = arith.constant 0 : i32
    %lt3A_43 = vector.broadcast %lt3A_42 : i32 to vector<16xi32>
    %lt3A_44 = arith.cmpi slt, %xor3A_41, %lt3A_43 : vector<16xi32>
    %add3A_45 = arith.constant 16 : i32
    %add3A_46 = vector.broadcast %add3A_45 : i32 to vector<16xi32>
    %add3A_47 = arith.addi %xor3A_41, %add3A_46 : vector<16xi32>
    %select_n3A_48 = arith.select %lt3A_44, %add3A_47, %xor3A_41 : vector<16xi1>, vector<16xi32>
    %broadcast_in_dim3A_49 = vector.shape_cast %select_n3A_48 : vector<16xi32> to vector<16x1xi32>
    %gather3A = vector.shape_cast %broadcast_in_dim3A_49 : vector<16x1xi32> to vector<16xi32>
    %gather3A_50 = tpu.dynamic_gather %add3A_38[%gather3A] in [0] : vector<16xi32>, vector<16xi32> -> vector<16xi32>
    %add3A_51 = arith.addi %add3A_38, %gather3A_50 : vector<16xi32>
    %xor3A_52 = arith.constant 2 : i32
    %xor3A_53 = vector.broadcast %xor3A_52 : i32 to vector<16xi32>
    %xor3A_54 = arith.xori %iota3A, %xor3A_53 : vector<16xi32>
    %lt3A_55 = arith.constant 0 : i32
    %lt3A_56 = vector.broadcast %lt3A_55 : i32 to vector<16xi32>
    %lt3A_57 = arith.cmpi slt, %xor3A_54, %lt3A_56 : vector<16xi32>
    %add3A_58 = arith.constant 16 : i32
    %add3A_59 = vector.broadcast %add3A_58 : i32 to vector<16xi32>
    %add3A_60 = arith.addi %xor3A_54, %add3A_59 : vector<16xi32>
    %select_n3A_61 = arith.select %lt3A_57, %add3A_60, %xor3A_54 : vector<16xi1>, vector<16xi32>
    %broadcast_in_dim3A_62 = vector.shape_cast %select_n3A_61 : vector<16xi32> to vector<16x1xi32>
    %gather3A_63 = vector.shape_cast %broadcast_in_dim3A_62 : vector<16x1xi32> to vector<16xi32>
    %gather3A_64 = tpu.dynamic_gather %add3A_51[%gather3A_63] in [0] : vector<16xi32>, vector<16xi32> -> vector<16xi32>
    %add3A_65 = arith.addi %add3A_51, %gather3A_64 : vector<16xi32>
    %xor3A_66 = arith.constant 4 : i32
    %xor3A_67 = vector.broadcast %xor3A_66 : i32 to vector<16xi32>
    %xor3A_68 = arith.xori %iota3A, %xor3A_67 : vector<16xi32>
    %lt3A_69 = arith.constant 0 : i32
    %lt3A_70 = vector.broadcast %lt3A_69 : i32 to vector<16xi32>
    %lt3A_71 = arith.cmpi slt, %xor3A_68, %lt3A_70 : vector<16xi32>
    %add3A_72 = arith.constant 16 : i32
    %add3A_73 = vector.broadcast %add3A_72 : i32 to vector<16xi32>
    %add3A_74 = arith.addi %xor3A_68, %add3A_73 : vector<16xi32>
    %select_n3A_75 = arith.select %lt3A_71, %add3A_74, %xor3A_68 : vector<16xi1>, vector<16xi32>
    %broadcast_in_dim3A_76 = vector.shape_cast %select_n3A_75 : vector<16xi32> to vector<16x1xi32>
    %gather3A_77 = vector.shape_cast %broadcast_in_dim3A_76 : vector<16x1xi32> to vector<16xi32>
    %gather3A_78 = tpu.dynamic_gather %add3A_65[%gather3A_77] in [0] : vector<16xi32>, vector<16xi32> -> vector<16xi32>
    %add3A_79 = arith.addi %add3A_65, %gather3A_78 : vector<16xi32>
    %xor3A_80 = arith.constant 8 : i32
    %xor3A_81 = vector.broadcast %xor3A_80 : i32 to vector<16xi32>
    %xor3A_82 = arith.xori %iota3A, %xor3A_81 : vector<16xi32>
    %lt3A_83 = arith.constant 0 : i32
    %lt3A_84 = vector.broadcast %lt3A_83 : i32 to vector<16xi32>
    %lt3A_85 = arith.cmpi slt, %xor3A_82, %lt3A_84 : vector<16xi32>
    %add3A_86 = arith.constant 16 : i32
    %add3A_87 = vector.broadcast %add3A_86 : i32 to vector<16xi32>
    %add3A_88 = arith.addi %xor3A_82, %add3A_87 : vector<16xi32>
    %select_n3A_89 = arith.select %lt3A_85, %add3A_88, %xor3A_82 : vector<16xi1>, vector<16xi32>
    %broadcast_in_dim3A_90 = vector.shape_cast %select_n3A_89 : vector<16xi32> to vector<16x1xi32>
    %gather3A_91 = vector.shape_cast %broadcast_in_dim3A_90 : vector<16x1xi32> to vector<16xi32>
    %gather3A_92 = tpu.dynamic_gather %add3A_79[%gather3A_91] in [0] : vector<16xi32>, vector<16xi32> -> vector<16xi32>
    %add3A_93 = arith.addi %add3A_79, %gather3A_92 : vector<16xi32>
    %slice3A = vector.extract_strided_slice %add3A_93 {offsets = [0], sizes = [1], strides = [1]} : vector<16xi32> to vector<1xi32>
    %squeeze3A = vector.extract %slice3A[0] : i32 from vector<1xi32>
    %ge3A = arith.constant 1639 : i32
    %ge3A_94 = arith.cmpi sge, %squeeze3A, %ge3A : i32
    %jit3A_95 = arith.constant 0 : i32
    %jit3A_96 = arith.constant -2147483648 : i32
    %select_n3A_97 = arith.select %ge3A_94, %jit3A_95, %jit3A_96 : i32
    %scan3A_98 = arith.constant 0 : i32
    %scan3A_99 = arith.constant 31 : i32
    %scan3A_100 = arith.addi %scan3A_98, %scan3A_99 : i32
    %scan3A_101 = arith.constant 1 : i32
    %scan3A_102 = scf.for %scan3A_249 = %scan3A_98 to %scan3A_100 step %scan3A_101 iter_args(%scan3A_250 = %select_n3A_97) -> (i32)  : i32 {
      %sub3A = arith.constant 30 : i32
      %sub3A_251 = arith.subi %sub3A, %scan3A_249 : i32
      %shift_left3A = arith.constant 1 : i32
      %shift_left3A_252 = arith.shli %shift_left3A, %sub3A_251 : i32
      %or3A = arith.ori %scan3A_250, %shift_left3A_252 : i32
      %lt3A_253 = arith.constant 0 : i32
      %lt3A_254 = arith.cmpi slt, %or3A, %lt3A_253 : i32
      %xor3A_255 = arith.constant 2147483647 : i32
      %xor3A_256 = arith.xori %or3A, %xor3A_255 : i32
      %select_n3A_257 = arith.select %lt3A_254, %xor3A_256, %or3A : i32
      %bitcast_convert_type3A_258 = arith.bitcast %select_n3A_257 : i32 to f32
      %broadcast_in_dim3A_259 = vector.broadcast %bitcast_convert_type3A_258 : f32 to vector<16xf32>
      %broadcast_in_dim3A_260 = arith.constant 1 : i32
      %broadcast_in_dim3A_261 = vector.broadcast %broadcast_in_dim3A_260 : i32 to vector<16xi32>
      %broadcast_in_dim3A_262 = arith.constant 0 : i32
      %broadcast_in_dim3A_263 = vector.broadcast %broadcast_in_dim3A_262 : i32 to vector<16xi32>
      %broadcast_in_dim3A_264 = arith.constant 0 : i32
      %broadcast_in_dim3A_265 = vector.broadcast %broadcast_in_dim3A_264 : i32 to vector<16xi32>
      %broadcast_in_dim3A_266 = arith.constant 0 : i32
      %broadcast_in_dim3A_267 = vector.broadcast %broadcast_in_dim3A_266 : i32 to vector<16xi32>
      %broadcast_in_dim3A_268 = arith.constant 0 : i32
      %broadcast_in_dim3A_269 = vector.broadcast %broadcast_in_dim3A_268 : i32 to vector<16xi32>
      %broadcast_in_dim3A_270 = arith.constant 0 : i32
      %broadcast_in_dim3A_271 = vector.broadcast %broadcast_in_dim3A_270 : i32 to vector<16xi32>
      %broadcast_in_dim3A_272 = arith.constant 0 : i32
      %broadcast_in_dim3A_273 = vector.broadcast %broadcast_in_dim3A_272 : i32 to vector<16xi32>
      %broadcast_in_dim3A_274 = arith.constant 0 : i32
      %broadcast_in_dim3A_275 = vector.broadcast %broadcast_in_dim3A_274 : i32 to vector<16xi32>
      %broadcast_in_dim3A_276 = arith.constant 0 : i32
      %broadcast_in_dim3A_277 = vector.broadcast %broadcast_in_dim3A_276 : i32 to vector<16xi32>
      %scan3A_278 = arith.constant 0 : i32
      %scan3A_279 = arith.constant 64 : i32
      %scan3A_280 = arith.addi %scan3A_278, %scan3A_279 : i32
      %scan3A_281 = arith.constant 1 : i32
      %scan3A_282:8 = scf.for %scan3A_353 = %scan3A_278 to %scan3A_280 step %scan3A_281 iter_args(%scan3A_354 = %broadcast_in_dim3A_263, %scan3A_355 = %broadcast_in_dim3A_265, %scan3A_356 = %broadcast_in_dim3A_267, %scan3A_357 = %broadcast_in_dim3A_269, %scan3A_358 = %broadcast_in_dim3A_271, %scan3A_359 = %broadcast_in_dim3A_273, %scan3A_360 = %broadcast_in_dim3A_275, %scan3A_361 = %broadcast_in_dim3A_277) -> (vector<16xi32>, vector<16xi32>, vector<16xi32>, vector<16xi32>, vector<16xi32>, vector<16xi32>, vector<16xi32>, vector<16xi32>)  : i32 {
        %mul3A_362 = arith.constant 128 : i32
        %mul3A_363 = arith.muli %scan3A_353, %mul3A_362 : i32
        %add3A_364 = arith.constant 0 : i32
        %add3A_365 = arith.addi %mul3A_363, %add3A_364 : i32
        %get3A = arith.index_cast %add3A_365 : i32 to index
        %get3A_366 = tpu.vector_load %arg4[%get3A] {strides = array<i32>} : memref<8192xf32, #tpu.memory_space<vmem>>, vector<16xf32>,
        %get3A_367 = vector.shape_cast %get3A_366 : vector<16xf32> to vector<16xf32>
        %ge3A_368 = arith.cmpf oge, %get3A_367, %broadcast_in_dim3A_259 : vector<16xf32>
        %add3A_369 = arith.addi %scan3A_354, %broadcast_in_dim3A_261 : vector<16xi32>
        %select_n3A_370 = arith.select %ge3A_368, %add3A_369, %scan3A_354 : vector<16xi1>, vector<16xi32>
        %add3A_371 = arith.constant 16 : i32
        %add3A_372 = arith.addi %mul3A_363, %add3A_371 : i32
        %get3A_373 = arith.index_cast %add3A_372 : i32 to index
        %get3A_374 = tpu.vector_load %arg4[%get3A_373] {strides = array<i32>} : memref<8192xf32, #tpu.memory_space<vmem>>, vector<16xf32>,
        %get3A_375 = vector.shape_cast %get3A_374 : vector<16xf32> to vector<16xf32>
        %ge3A_376 = arith.cmpf oge, %get3A_375, %broadcast_in_dim3A_259 : vector<16xf32>
        %add3A_377 = arith.addi %scan3A_355, %broadcast_in_dim3A_261 : vector<16xi32>
        %select_n3A_378 = arith.select %ge3A_376, %add3A_377, %scan3A_355 : vector<16xi1>, vector<16xi32>
        %add3A_379 = arith.constant 32 : i32
        %add3A_380 = arith.addi %mul3A_363, %add3A_379 : i32
        %get3A_381 = arith.index_cast %add3A_380 : i32 to index
        %get3A_382 = tpu.vector_load %arg4[%get3A_381] {strides = array<i32>} : memref<8192xf32, #tpu.memory_space<vmem>>, vector<16xf32>,
        %get3A_383 = vector.shape_cast %get3A_382 : vector<16xf32> to vector<16xf32>
        %ge3A_384 = arith.cmpf oge, %get3A_383, %broadcast_in_dim3A_259 : vector<16xf32>
        %add3A_385 = arith.addi %scan3A_356, %broadcast_in_dim3A_261 : vector<16xi32>
        %select_n3A_386 = arith.select %ge3A_384, %add3A_385, %scan3A_356 : vector<16xi1>, vector<16xi32>
        %add3A_387 = arith.constant 48 : i32
        %add3A_388 = arith.addi %mul3A_363, %add3A_387 : i32
        %get3A_389 = arith.index_cast %add3A_388 : i32 to index
        %get3A_390 = tpu.vector_load %arg4[%get3A_389] {strides = array<i32>} : memref<8192xf32, #tpu.memory_space<vmem>>, vector<16xf32>,
        %get3A_391 = vector.shape_cast %get3A_390 : vector<16xf32> to vector<16xf32>
        %ge3A_392 = arith.cmpf oge, %get3A_391, %broadcast_in_dim3A_259 : vector<16xf32>
        %add3A_393 = arith.addi %scan3A_357, %broadcast_in_dim3A_261 : vector<16xi32>
        %select_n3A_394 = arith.select %ge3A_392, %add3A_393, %scan3A_357 : vector<16xi1>, vector<16xi32>
        %add3A_395 = arith.constant 64 : i32
        %add3A_396 = arith.addi %mul3A_363, %add3A_395 : i32
        %get3A_397 = arith.index_cast %add3A_396 : i32 to index
        %get3A_398 = tpu.vector_load %arg4[%get3A_397] {strides = array<i32>} : memref<8192xf32, #tpu.memory_space<vmem>>, vector<16xf32>,
        %get3A_399 = vector.shape_cast %get3A_398 : vector<16xf32> to vector<16xf32>
        %ge3A_400 = arith.cmpf oge, %get3A_399, %broadcast_in_dim3A_259 : vector<16xf32>
        %add3A_401 = arith.addi %scan3A_358, %broadcast_in_dim3A_261 : vector<16xi32>
        %select_n3A_402 = arith.select %ge3A_400, %add3A_401, %scan3A_358 : vector<16xi1>, vector<16xi32>
        %add3A_403 = arith.constant 80 : i32
        %add3A_404 = arith.addi %mul3A_363, %add3A_403 : i32
        %get3A_405 = arith.index_cast %add3A_404 : i32 to index
        %get3A_406 = tpu.vector_load %arg4[%get3A_405] {strides = array<i32>} : memref<8192xf32, #tpu.memory_space<vmem>>, vector<16xf32>,
        %get3A_407 = vector.shape_cast %get3A_406 : vector<16xf32> to vector<16xf32>
        %ge3A_408 = arith.cmpf oge, %get3A_407, %broadcast_in_dim3A_259 : vector<16xf32>
        %add3A_409 = arith.addi %scan3A_359, %broadcast_in_dim3A_261 : vector<16xi32>
        %select_n3A_410 = arith.select %ge3A_408, %add3A_409, %scan3A_359 : vector<16xi1>, vector<16xi32>
        %add3A_411 = arith.constant 96 : i32
        %add3A_412 = arith.addi %mul3A_363, %add3A_411 : i32
        %get3A_413 = arith.index_cast %add3A_412 : i32 to index
        %get3A_414 = tpu.vector_load %arg4[%get3A_413] {strides = array<i32>} : memref<8192xf32, #tpu.memory_space<vmem>>, vector<16xf32>,
        %get3A_415 = vector.shape_cast %get3A_414 : vector<16xf32> to vector<16xf32>
        %ge3A_416 = arith.cmpf oge, %get3A_415, %broadcast_in_dim3A_259 : vector<16xf32>
        %add3A_417 = arith.addi %scan3A_360, %broadcast_in_dim3A_261 : vector<16xi32>
        %select_n3A_418 = arith.select %ge3A_416, %add3A_417, %scan3A_360 : vector<16xi1>, vector<16xi32>
        %add3A_419 = arith.constant 112 : i32
        %add3A_420 = arith.addi %mul3A_363, %add3A_419 : i32
        %get3A_421 = arith.index_cast %add3A_420 : i32 to index
        %get3A_422 = tpu.vector_load %arg4[%get3A_421] {strides = array<i32>} : memref<8192xf32, #tpu.memory_space<vmem>>, vector<16xf32>,
        %get3A_423 = vector.shape_cast %get3A_422 : vector<16xf32> to vector<16xf32>
        %ge3A_424 = arith.cmpf oge, %get3A_423, %broadcast_in_dim3A_259 : vector<16xf32>
        %add3A_425 = arith.addi %scan3A_361, %broadcast_in_dim3A_261 : vector<16xi32>
        %select_n3A_426 = arith.select %ge3A_424, %add3A_425, %scan3A_361 : vector<16xi1>, vector<16xi32>
        scf.yield %select_n3A_370, %select_n3A_378, %select_n3A_386, %select_n3A_394, %select_n3A_402, %select_n3A_410, %select_n3A_418, %select_n3A_426 : vector<16xi32>, vector<16xi32>, vector<16xi32>, vector<16xi32>, vector<16xi32>, vector<16xi32>, vector<16xi32>, vector<16xi32>
      }
      %scan3A_283 = arith.constant 64 : i32
      %add3A_284 = arith.addi %scan3A_282#0, %scan3A_282#1 : vector<16xi32>
      %add3A_285 = arith.addi %add3A_284, %scan3A_282#2 : vector<16xi32>
      %add3A_286 = arith.addi %add3A_285, %scan3A_282#3 : vector<16xi32>
      %add3A_287 = arith.addi %add3A_286, %scan3A_282#4 : vector<16xi32>
      %add3A_288 = arith.addi %add3A_287, %scan3A_282#5 : vector<16xi32>
      %add3A_289 = arith.addi %add3A_288, %scan3A_282#6 : vector<16xi32>
      %add3A_290 = arith.addi %add3A_289, %scan3A_282#7 : vector<16xi32>
      %iota3A_291 = tpu.iota {dimensions = array<i32: 0>} : vector<16xi32>
      %xor3A_292 = arith.constant 1 : i32
      %xor3A_293 = vector.broadcast %xor3A_292 : i32 to vector<16xi32>
      %xor3A_294 = arith.xori %iota3A_291, %xor3A_293 : vector<16xi32>
      %lt3A_295 = arith.constant 0 : i32
      %lt3A_296 = vector.broadcast %lt3A_295 : i32 to vector<16xi32>
      %lt3A_297 = arith.cmpi slt, %xor3A_294, %lt3A_296 : vector<16xi32>
      %add3A_298 = arith.constant 16 : i32
      %add3A_299 = vector.broadcast %add3A_298 : i32 to vector<16xi32>
      %add3A_300 = arith.addi %xor3A_294, %add3A_299 : vector<16xi32>
      %select_n3A_301 = arith.select %lt3A_297, %add3A_300, %xor3A_294 : vector<16xi1>, vector<16xi32>
      %broadcast_in_dim3A_302 = vector.shape_cast %select_n3A_301 : vector<16xi32> to vector<16x1xi32>
      %gather3A_303 = vector.shape_cast %broadcast_in_dim3A_302 : vector<16x1xi32> to vector<16xi32>
      %gather3A_304 = tpu.dynamic_gather %add3A_290[%gather3A_303] in [0] : vector<16xi32>, vector<16xi32> -> vector<16xi32>
      %add3A_305 = arith.addi %add3A_290, %gather3A_304 : vector<16xi32>
      %xor3A_306 = arith.constant 2 : i32
      %xor3A_307 = vector.broadcast %xor3A_306 : i32 to vector<16xi32>
      %xor3A_308 = arith.xori %iota3A_291, %xor3A_307 : vector<16xi32>
      %lt3A_309 = arith.constant 0 : i32
      %lt3A_310 = vector.broadcast %lt3A_309 : i32 to vector<16xi32>
      %lt3A_311 = arith.cmpi slt, %xor3A_308, %lt3A_310 : vector<16xi32>
      %add3A_312 = arith.constant 16 : i32
      %add3A_313 = vector.broadcast %add3A_312 : i32 to vector<16xi32>
      %add3A_314 = arith.addi %xor3A_308, %add3A_313 : vector<16xi32>
      %select_n3A_315 = arith.select %lt3A_311, %add3A_314, %xor3A_308 : vector<16xi1>, vector<16xi32>
      %broadcast_in_dim3A_316 = vector.shape_cast %select_n3A_315 : vector<16xi32> to vector<16x1xi32>
      %gather3A_317 = vector.shape_cast %broadcast_in_dim3A_316 : vector<16x1xi32> to vector<16xi32>
      %gather3A_318 = tpu.dynamic_gather %add3A_305[%gather3A_317] in [0] : vector<16xi32>, vector<16xi32> -> vector<16xi32>
      %add3A_319 = arith.addi %add3A_305, %gather3A_318 : vector<16xi32>
      %xor3A_320 = arith.constant 4 : i32
      %xor3A_321 = vector.broadcast %xor3A_320 : i32 to vector<16xi32>
      %xor3A_322 = arith.xori %iota3A_291, %xor3A_321 : vector<16xi32>
      %lt3A_323 = arith.constant 0 : i32
      %lt3A_324 = vector.broadcast %lt3A_323 : i32 to vector<16xi32>
      %lt3A_325 = arith.cmpi slt, %xor3A_322, %lt3A_324 : vector<16xi32>
      %add3A_326 = arith.constant 16 : i32
      %add3A_327 = vector.broadcast %add3A_326 : i32 to vector<16xi32>
      %add3A_328 = arith.addi %xor3A_322, %add3A_327 : vector<16xi32>
      %select_n3A_329 = arith.select %lt3A_325, %add3A_328, %xor3A_322 : vector<16xi1>, vector<16xi32>
      %broadcast_in_dim3A_330 = vector.shape_cast %select_n3A_329 : vector<16xi32> to vector<16x1xi32>
      %gather3A_331 = vector.shape_cast %broadcast_in_dim3A_330 : vector<16x1xi32> to vector<16xi32>
      %gather3A_332 = tpu.dynamic_gather %add3A_319[%gather3A_331] in [0] : vector<16xi32>, vector<16xi32> -> vector<16xi32>
      %add3A_333 = arith.addi %add3A_319, %gather3A_332 : vector<16xi32>
      %xor3A_334 = arith.constant 8 : i32
      %xor3A_335 = vector.broadcast %xor3A_334 : i32 to vector<16xi32>
      %xor3A_336 = arith.xori %iota3A_291, %xor3A_335 : vector<16xi32>
      %lt3A_337 = arith.constant 0 : i32
      %lt3A_338 = vector.broadcast %lt3A_337 : i32 to vector<16xi32>
      %lt3A_339 = arith.cmpi slt, %xor3A_336, %lt3A_338 : vector<16xi32>
      %add3A_340 = arith.constant 16 : i32
      %add3A_341 = vector.broadcast %add3A_340 : i32 to vector<16xi32>
      %add3A_342 = arith.addi %xor3A_336, %add3A_341 : vector<16xi32>
      %select_n3A_343 = arith.select %lt3A_339, %add3A_342, %xor3A_336 : vector<16xi1>, vector<16xi32>
      %broadcast_in_dim3A_344 = vector.shape_cast %select_n3A_343 : vector<16xi32> to vector<16x1xi32>
      %gather3A_345 = vector.shape_cast %broadcast_in_dim3A_344 : vector<16x1xi32> to vector<16xi32>
      %gather3A_346 = tpu.dynamic_gather %add3A_333[%gather3A_345] in [0] : vector<16xi32>, vector<16xi32> -> vector<16xi32>
      %add3A_347 = arith.addi %add3A_333, %gather3A_346 : vector<16xi32>
      %slice3A_348 = vector.extract_strided_slice %add3A_347 {offsets = [0], sizes = [1], strides = [1]} : vector<16xi32> to vector<1xi32>
      %squeeze3A_349 = vector.extract %slice3A_348[0] : i32 from vector<1xi32>
      %ge3A_350 = arith.constant 1639 : i32
      %ge3A_351 = arith.cmpi sge, %squeeze3A_349, %ge3A_350 : i32
      %select_n3A_352 = arith.select %ge3A_351, %or3A, %scan3A_250 : i32
      scf.yield %select_n3A_352 : i32
    }
    %scan3A_103 = arith.constant 31 : i32
    %lt3A_104 = arith.constant 0 : i32
    %lt3A_105 = arith.cmpi slt, %scan3A_102, %lt3A_104 : i32
    %xor3A_106 = arith.constant 2147483647 : i32
    %xor3A_107 = arith.xori %scan3A_102, %xor3A_106 : i32
    %select_n3A_108 = arith.select %lt3A_105, %xor3A_107, %scan3A_102 : i32
    %bitcast_convert_type3A_109 = arith.bitcast %select_n3A_108 : i32 to f32
    %broadcast_in_dim3A_110 = vector.broadcast %bitcast_convert_type3A_109 : f32 to vector<16xf32>
    %broadcast_in_dim3A_111 = arith.constant 0.000000e+00 : f32
    %broadcast_in_dim3A_112 = vector.broadcast %broadcast_in_dim3A_111 : f32 to vector<16xf32>
    %scan3A_113 = arith.constant 0 : i32
    %scan3A_114 = arith.constant 0 : i32
    %scan3A_115 = arith.constant 64 : i32
    %scan3A_116 = arith.addi %scan3A_114, %scan3A_115 : i32
    %scan3A_117 = arith.constant 1 : i32
    scf.for %scan3A_249 = %scan3A_114 to %scan3A_116 step %scan3A_117  : i32 {
      %mul3A_250 = arith.constant 128 : i32
      %mul3A_251 = arith.muli %scan3A_249, %mul3A_250 : i32
      %add3A_252 = arith.constant 0 : i32
      %add3A_253 = arith.addi %mul3A_251, %add3A_252 : i32
      %get3A = arith.index_cast %add3A_253 : i32 to index
      %get3A_254 = tpu.vector_load %arg4[%get3A] {strides = array<i32>} : memref<8192xf32, #tpu.memory_space<vmem>>, vector<16xf32>,
      %get3A_255 = vector.shape_cast %get3A_254 : vector<16xf32> to vector<16xf32>
      %ge3A_256 = arith.cmpf oge, %get3A_255, %broadcast_in_dim3A_110 : vector<16xf32>
      %select_n3A_257 = arith.select %ge3A_256, %get3A_255, %broadcast_in_dim3A_112 : vector<16xi1>, vector<16xf32>
      %add3A_258 = arith.constant 0 : i32
      %add3A_259 = arith.addi %mul3A_251, %add3A_258 : i32
      %swap3A = arith.index_cast %add3A_259 : i32 to index
      %swap3A_260 = tpu.vector_load %arg4[%swap3A] {strides = array<i32>} : memref<8192xf32, #tpu.memory_space<vmem>>, vector<16xf32>,
      %swap3A_261 = vector.shape_cast %swap3A_260 : vector<16xf32> to vector<16xf32>
      %swap3A_262 = vector.shape_cast %select_n3A_257 : vector<16xf32> to vector<16xf32>
      tpu.vector_store %arg4[%swap3A], %swap3A_262 {strides = array<i32>} : memref<8192xf32, #tpu.memory_space<vmem>>, vector<16xf32>,
      %add3A_263 = arith.constant 16 : i32
      %add3A_264 = arith.addi %mul3A_251, %add3A_263 : i32
      %get3A_265 = arith.index_cast %add3A_264 : i32 to index
      %get3A_266 = tpu.vector_load %arg4[%get3A_265] {strides = array<i32>} : memref<8192xf32, #tpu.memory_space<vmem>>, vector<16xf32>,
      %get3A_267 = vector.shape_cast %get3A_266 : vector<16xf32> to vector<16xf32>
      %ge3A_268 = arith.cmpf oge, %get3A_267, %broadcast_in_dim3A_110 : vector<16xf32>
      %select_n3A_269 = arith.select %ge3A_268, %get3A_267, %broadcast_in_dim3A_112 : vector<16xi1>, vector<16xf32>
      %add3A_270 = arith.constant 16 : i32
      %add3A_271 = arith.addi %mul3A_251, %add3A_270 : i32
      %swap3A_272 = arith.index_cast %add3A_271 : i32 to index
      %swap3A_273 = tpu.vector_load %arg4[%swap3A_272] {strides = array<i32>} : memref<8192xf32, #tpu.memory_space<vmem>>, vector<16xf32>,
      %swap3A_274 = vector.shape_cast %swap3A_273 : vector<16xf32> to vector<16xf32>
      %swap3A_275 = vector.shape_cast %select_n3A_269 : vector<16xf32> to vector<16xf32>
      tpu.vector_store %arg4[%swap3A_272], %swap3A_275 {strides = array<i32>} : memref<8192xf32, #tpu.memory_space<vmem>>, vector<16xf32>,
      %add3A_276 = arith.constant 32 : i32
      %add3A_277 = arith.addi %mul3A_251, %add3A_276 : i32
      %get3A_278 = arith.index_cast %add3A_277 : i32 to index
      %get3A_279 = tpu.vector_load %arg4[%get3A_278] {strides = array<i32>} : memref<8192xf32, #tpu.memory_space<vmem>>, vector<16xf32>,
      %get3A_280 = vector.shape_cast %get3A_279 : vector<16xf32> to vector<16xf32>
      %ge3A_281 = arith.cmpf oge, %get3A_280, %broadcast_in_dim3A_110 : vector<16xf32>
      %select_n3A_282 = arith.select %ge3A_281, %get3A_280, %broadcast_in_dim3A_112 : vector<16xi1>, vector<16xf32>
      %add3A_283 = arith.constant 32 : i32
      %add3A_284 = arith.addi %mul3A_251, %add3A_283 : i32
      %swap3A_285 = arith.index_cast %add3A_284 : i32 to index
      %swap3A_286 = tpu.vector_load %arg4[%swap3A_285] {strides = array<i32>} : memref<8192xf32, #tpu.memory_space<vmem>>, vector<16xf32>,
      %swap3A_287 = vector.shape_cast %swap3A_286 : vector<16xf32> to vector<16xf32>
      %swap3A_288 = vector.shape_cast %select_n3A_282 : vector<16xf32> to vector<16xf32>
      tpu.vector_store %arg4[%swap3A_285], %swap3A_288 {strides = array<i32>} : memref<8192xf32, #tpu.memory_space<vmem>>, vector<16xf32>,
      %add3A_289 = arith.constant 48 : i32
      %add3A_290 = arith.addi %mul3A_251, %add3A_289 : i32
      %get3A_291 = arith.index_cast %add3A_290 : i32 to index
      %get3A_292 = tpu.vector_load %arg4[%get3A_291] {strides = array<i32>} : memref<8192xf32, #tpu.memory_space<vmem>>, vector<16xf32>,
      %get3A_293 = vector.shape_cast %get3A_292 : vector<16xf32> to vector<16xf32>
      %ge3A_294 = arith.cmpf oge, %get3A_293, %broadcast_in_dim3A_110 : vector<16xf32>
      %select_n3A_295 = arith.select %ge3A_294, %get3A_293, %broadcast_in_dim3A_112 : vector<16xi1>, vector<16xf32>
      %add3A_296 = arith.constant 48 : i32
      %add3A_297 = arith.addi %mul3A_251, %add3A_296 : i32
      %swap3A_298 = arith.index_cast %add3A_297 : i32 to index
      %swap3A_299 = tpu.vector_load %arg4[%swap3A_298] {strides = array<i32>} : memref<8192xf32, #tpu.memory_space<vmem>>, vector<16xf32>,
      %swap3A_300 = vector.shape_cast %swap3A_299 : vector<16xf32> to vector<16xf32>
      %swap3A_301 = vector.shape_cast %select_n3A_295 : vector<16xf32> to vector<16xf32>
      tpu.vector_store %arg4[%swap3A_298], %swap3A_301 {strides = array<i32>} : memref<8192xf32, #tpu.memory_space<vmem>>, vector<16xf32>,
      %add3A_302 = arith.constant 64 : i32
      %add3A_303 = arith.addi %mul3A_251, %add3A_302 : i32
      %get3A_304 = arith.index_cast %add3A_303 : i32 to index
      %get3A_305 = tpu.vector_load %arg4[%get3A_304] {strides = array<i32>} : memref<8192xf32, #tpu.memory_space<vmem>>, vector<16xf32>,
      %get3A_306 = vector.shape_cast %get3A_305 : vector<16xf32> to vector<16xf32>
      %ge3A_307 = arith.cmpf oge, %get3A_306, %broadcast_in_dim3A_110 : vector<16xf32>
      %select_n3A_308 = arith.select %ge3A_307, %get3A_306, %broadcast_in_dim3A_112 : vector<16xi1>, vector<16xf32>
      %add3A_309 = arith.constant 64 : i32
      %add3A_310 = arith.addi %mul3A_251, %add3A_309 : i32
      %swap3A_311 = arith.index_cast %add3A_310 : i32 to index
      %swap3A_312 = tpu.vector_load %arg4[%swap3A_311] {strides = array<i32>} : memref<8192xf32, #tpu.memory_space<vmem>>, vector<16xf32>,
      %swap3A_313 = vector.shape_cast %swap3A_312 : vector<16xf32> to vector<16xf32>
      %swap3A_314 = vector.shape_cast %select_n3A_308 : vector<16xf32> to vector<16xf32>
      tpu.vector_store %arg4[%swap3A_311], %swap3A_314 {strides = array<i32>} : memref<8192xf32, #tpu.memory_space<vmem>>, vector<16xf32>,
      %add3A_315 = arith.constant 80 : i32
      %add3A_316 = arith.addi %mul3A_251, %add3A_315 : i32
      %get3A_317 = arith.index_cast %add3A_316 : i32 to index
      %get3A_318 = tpu.vector_load %arg4[%get3A_317] {strides = array<i32>} : memref<8192xf32, #tpu.memory_space<vmem>>, vector<16xf32>,
      %get3A_319 = vector.shape_cast %get3A_318 : vector<16xf32> to vector<16xf32>
      %ge3A_320 = arith.cmpf oge, %get3A_319, %broadcast_in_dim3A_110 : vector<16xf32>
      %select_n3A_321 = arith.select %ge3A_320, %get3A_319, %broadcast_in_dim3A_112 : vector<16xi1>, vector<16xf32>
      %add3A_322 = arith.constant 80 : i32
      %add3A_323 = arith.addi %mul3A_251, %add3A_322 : i32
      %swap3A_324 = arith.index_cast %add3A_323 : i32 to index
      %swap3A_325 = tpu.vector_load %arg4[%swap3A_324] {strides = array<i32>} : memref<8192xf32, #tpu.memory_space<vmem>>, vector<16xf32>,
      %swap3A_326 = vector.shape_cast %swap3A_325 : vector<16xf32> to vector<16xf32>
      %swap3A_327 = vector.shape_cast %select_n3A_321 : vector<16xf32> to vector<16xf32>
      tpu.vector_store %arg4[%swap3A_324], %swap3A_327 {strides = array<i32>} : memref<8192xf32, #tpu.memory_space<vmem>>, vector<16xf32>,
      %add3A_328 = arith.constant 96 : i32
      %add3A_329 = arith.addi %mul3A_251, %add3A_328 : i32
      %get3A_330 = arith.index_cast %add3A_329 : i32 to index
      %get3A_331 = tpu.vector_load %arg4[%get3A_330] {strides = array<i32>} : memref<8192xf32, #tpu.memory_space<vmem>>, vector<16xf32>,
      %get3A_332 = vector.shape_cast %get3A_331 : vector<16xf32> to vector<16xf32>
      %ge3A_333 = arith.cmpf oge, %get3A_332, %broadcast_in_dim3A_110 : vector<16xf32>
      %select_n3A_334 = arith.select %ge3A_333, %get3A_332, %broadcast_in_dim3A_112 : vector<16xi1>, vector<16xf32>
      %add3A_335 = arith.constant 96 : i32
      %add3A_336 = arith.addi %mul3A_251, %add3A_335 : i32
      %swap3A_337 = arith.index_cast %add3A_336 : i32 to index
      %swap3A_338 = tpu.vector_load %arg4[%swap3A_337] {strides = array<i32>} : memref<8192xf32, #tpu.memory_space<vmem>>, vector<16xf32>,
      %swap3A_339 = vector.shape_cast %swap3A_338 : vector<16xf32> to vector<16xf32>
      %swap3A_340 = vector.shape_cast %select_n3A_334 : vector<16xf32> to vector<16xf32>
      tpu.vector_store %arg4[%swap3A_337], %swap3A_340 {strides = array<i32>} : memref<8192xf32, #tpu.memory_space<vmem>>, vector<16xf32>,
      %add3A_341 = arith.constant 112 : i32
      %add3A_342 = arith.addi %mul3A_251, %add3A_341 : i32
      %get3A_343 = arith.index_cast %add3A_342 : i32 to index
      %get3A_344 = tpu.vector_load %arg4[%get3A_343] {strides = array<i32>} : memref<8192xf32, #tpu.memory_space<vmem>>, vector<16xf32>,
      %get3A_345 = vector.shape_cast %get3A_344 : vector<16xf32> to vector<16xf32>
      %ge3A_346 = arith.cmpf oge, %get3A_345, %broadcast_in_dim3A_110 : vector<16xf32>
      %select_n3A_347 = arith.select %ge3A_346, %get3A_345, %broadcast_in_dim3A_112 : vector<16xi1>, vector<16xf32>
      %add3A_348 = arith.constant 112 : i32
      %add3A_349 = arith.addi %mul3A_251, %add3A_348 : i32
      %swap3A_350 = arith.index_cast %add3A_349 : i32 to index
      %swap3A_351 = tpu.vector_load %arg4[%swap3A_350] {strides = array<i32>} : memref<8192xf32, #tpu.memory_space<vmem>>, vector<16xf32>,
      %swap3A_352 = vector.shape_cast %swap3A_351 : vector<16xf32> to vector<16xf32>
      %swap3A_353 = vector.shape_cast %select_n3A_347 : vector<16xf32> to vector<16xf32>
      tpu.vector_store %arg4[%swap3A_350], %swap3A_353 {strides = array<i32>} : memref<8192xf32, #tpu.memory_space<vmem>>, vector<16xf32>,
    }
    %scan3A_118 = arith.constant 64 : i32
    "tpu.region"() ({
      %run_scoped3A = tpu.sem_alloc : memref<!tpu.dma_semaphore, #tpu.memory_space<semaphore_mem>>
      %dma_start3A = arith.constant 0 : i32
      %dma_start3A_249 = tpu.memref_slice %arg3[%add3A_4, %dma_start3A] : memref<64x8192xf32, #tpu.memory_space<hbm>> -> memref<1x8192xf32, #tpu.memory_space<hbm>>
      %dma_start3A_250 = tpu.memref_squeeze %dma_start3A_249 : memref<1x8192xf32, #tpu.memory_space<hbm>> -> memref<8192xf32, #tpu.memory_space<hbm>>
      %dma_start3A_251 = arith.constant 0 : i32
      %dma_start3A_252 = tpu.memref_slice %arg3[%add3A_4, %dma_start3A_251] : memref<64x8192xf32, #tpu.memory_space<hbm>> -> memref<1x8192xf32, #tpu.memory_space<hbm>>
      %dma_start3A_253 = tpu.memref_squeeze %dma_start3A_252 : memref<1x8192xf32, #tpu.memory_space<hbm>> -> memref<8192xf32, #tpu.memory_space<hbm>>
      tpu.enqueue_dma source(%arg4 : memref<8192xf32, #tpu.memory_space<vmem>>) target(%dma_start3A_253 : memref<8192xf32, #tpu.memory_space<hbm>>) target_semaphore(%run_scoped3A : memref<!tpu.dma_semaphore, #tpu.memory_space<semaphore_mem>>)
      %dma_wait3A = arith.constant 0 : i32
      %dma_wait3A_254 = tpu.memref_slice %arg3[%add3A_4, %dma_wait3A] : memref<64x8192xf32, #tpu.memory_space<hbm>> -> memref<1x8192xf32, #tpu.memory_space<hbm>>
      %dma_wait3A_255 = tpu.memref_squeeze %dma_wait3A_254 : memref<1x8192xf32, #tpu.memory_space<hbm>> -> memref<8192xf32, #tpu.memory_space<hbm>>
      %dma_wait3A_256 = arith.constant 0 : i32
      %dma_wait3A_257 = tpu.memref_slice %arg3[%add3A_4, %dma_wait3A_256] : memref<64x8192xf32, #tpu.memory_space<hbm>> -> memref<1x8192xf32, #tpu.memory_space<hbm>>
      %dma_wait3A_258 = tpu.memref_squeeze %dma_wait3A_257 : memref<1x8192xf32, #tpu.memory_space<hbm>> -> memref<8192xf32, #tpu.memory_space<hbm>>
      tpu.wait_dma2 semaphore(%run_scoped3A : memref<!tpu.dma_semaphore, #tpu.memory_space<semaphore_mem>>) src(%arg4 : memref<8192xf32, #tpu.memory_space<vmem>>) dst(%dma_wait3A_258 : memref<8192xf32, #tpu.memory_space<hbm>>)
      tpu.yield
    }) : () -> ()
    %mul3A_119 = arith.constant 2 : i32
    %mul3A_120 = arith.muli %add3A, %mul3A_119 : i32
    %add3A_121 = arith.constant 1 : i32
    %add3A_122 = arith.addi %mul3A_120, %add3A_121 : i32
    "tpu.region"() ({
      %run_scoped3A = tpu.sem_alloc : memref<!tpu.dma_semaphore, #tpu.memory_space<semaphore_mem>>
      %dma_start3A = arith.constant 0 : i32
      %dma_start3A_249 = tpu.memref_slice %arg2[%add3A_122, %dma_start3A] : memref<64x8192xf32, #tpu.memory_space<hbm>> -> memref<1x8192xf32, #tpu.memory_space<hbm>>
      %dma_start3A_250 = tpu.memref_squeeze %dma_start3A_249 : memref<1x8192xf32, #tpu.memory_space<hbm>> -> memref<8192xf32, #tpu.memory_space<hbm>>
      %dma_start3A_251 = arith.constant 0 : i32
      %dma_start3A_252 = tpu.memref_slice %arg2[%add3A_122, %dma_start3A_251] : memref<64x8192xf32, #tpu.memory_space<hbm>> -> memref<1x8192xf32, #tpu.memory_space<hbm>>
      %dma_start3A_253 = tpu.memref_squeeze %dma_start3A_252 : memref<1x8192xf32, #tpu.memory_space<hbm>> -> memref<8192xf32, #tpu.memory_space<hbm>>
      tpu.enqueue_dma source(%dma_start3A_253 : memref<8192xf32, #tpu.memory_space<hbm>>) target(%arg4 : memref<8192xf32, #tpu.memory_space<vmem>>) target_semaphore(%run_scoped3A : memref<!tpu.dma_semaphore, #tpu.memory_space<semaphore_mem>>)
      %dma_wait3A = arith.constant 0 : i32
      %dma_wait3A_254 = tpu.memref_slice %arg2[%add3A_122, %dma_wait3A] : memref<64x8192xf32, #tpu.memory_space<hbm>> -> memref<1x8192xf32, #tpu.memory_space<hbm>>
      %dma_wait3A_255 = tpu.memref_squeeze %dma_wait3A_254 : memref<1x8192xf32, #tpu.memory_space<hbm>> -> memref<8192xf32, #tpu.memory_space<hbm>>
      %dma_wait3A_256 = arith.constant 0 : i32
      %dma_wait3A_257 = tpu.memref_slice %arg2[%add3A_122, %dma_wait3A_256] : memref<64x8192xf32, #tpu.memory_space<hbm>> -> memref<1x8192xf32, #tpu.memory_space<hbm>>
      %dma_wait3A_258 = tpu.memref_squeeze %dma_wait3A_257 : memref<1x8192xf32, #tpu.memory_space<hbm>> -> memref<8192xf32, #tpu.memory_space<hbm>>
      tpu.wait_dma2 semaphore(%run_scoped3A : memref<!tpu.dma_semaphore, #tpu.memory_space<semaphore_mem>>) src(%dma_wait3A_258 : memref<8192xf32, #tpu.memory_space<hbm>>) dst(%arg4 : memref<8192xf32, #tpu.memory_space<vmem>>)
      tpu.yield
    }) : () -> ()
    %lt3A_123 = arith.constant 0 : i32
    %lt3A_124 = arith.constant 0 : i32
    %lt3A_125 = arith.cmpi slt, %lt3A_123, %lt3A_124 : i32
    %xor3A_126 = arith.constant 0 : i32
    %xor3A_127 = arith.constant 2147483647 : i32
    %xor3A_128 = arith.xori %xor3A_126, %xor3A_127 : i32
    %jit3A_129 = arith.constant 0 : i32
    %select_n3A_130 = arith.select %lt3A_125, %xor3A_128, %jit3A_129 : i32
    %bitcast_convert_type3A_131 = arith.bitcast %select_n3A_130 : i32 to f32
    %broadcast_in_dim3A_132 = vector.broadcast %bitcast_convert_type3A_131 : f32 to vector<16xf32>
    %broadcast_in_dim3A_133 = arith.constant 1 : i32
    %broadcast_in_dim3A_134 = vector.broadcast %broadcast_in_dim3A_133 : i32 to vector<16xi32>
    %broadcast_in_dim3A_135 = arith.constant 0 : i32
    %broadcast_in_dim3A_136 = vector.broadcast %broadcast_in_dim3A_135 : i32 to vector<16xi32>
    %broadcast_in_dim3A_137 = arith.constant 0 : i32
    %broadcast_in_dim3A_138 = vector.broadcast %broadcast_in_dim3A_137 : i32 to vector<16xi32>
    %broadcast_in_dim3A_139 = arith.constant 0 : i32
    %broadcast_in_dim3A_140 = vector.broadcast %broadcast_in_dim3A_139 : i32 to vector<16xi32>
    %broadcast_in_dim3A_141 = arith.constant 0 : i32
    %broadcast_in_dim3A_142 = vector.broadcast %broadcast_in_dim3A_141 : i32 to vector<16xi32>
    %broadcast_in_dim3A_143 = arith.constant 0 : i32
    %broadcast_in_dim3A_144 = vector.broadcast %broadcast_in_dim3A_143 : i32 to vector<16xi32>
    %broadcast_in_dim3A_145 = arith.constant 0 : i32
    %broadcast_in_dim3A_146 = vector.broadcast %broadcast_in_dim3A_145 : i32 to vector<16xi32>
    %broadcast_in_dim3A_147 = arith.constant 0 : i32
    %broadcast_in_dim3A_148 = vector.broadcast %broadcast_in_dim3A_147 : i32 to vector<16xi32>
    %broadcast_in_dim3A_149 = arith.constant 0 : i32
    %broadcast_in_dim3A_150 = vector.broadcast %broadcast_in_dim3A_149 : i32 to vector<16xi32>
    %scan3A_151 = arith.constant 0 : i32
    %scan3A_152 = arith.constant 64 : i32
    %scan3A_153 = arith.addi %scan3A_151, %scan3A_152 : i32
    %scan3A_154 = arith.constant 1 : i32
    %scan3A_155:8 = scf.for %scan3A_249 = %scan3A_151 to %scan3A_153 step %scan3A_154 iter_args(%scan3A_250 = %broadcast_in_dim3A_136, %scan3A_251 = %broadcast_in_dim3A_138, %scan3A_252 = %broadcast_in_dim3A_140, %scan3A_253 = %broadcast_in_dim3A_142, %scan3A_254 = %broadcast_in_dim3A_144, %scan3A_255 = %broadcast_in_dim3A_146, %scan3A_256 = %broadcast_in_dim3A_148, %scan3A_257 = %broadcast_in_dim3A_150) -> (vector<16xi32>, vector<16xi32>, vector<16xi32>, vector<16xi32>, vector<16xi32>, vector<16xi32>, vector<16xi32>, vector<16xi32>)  : i32 {
      %mul3A_258 = arith.constant 128 : i32
      %mul3A_259 = arith.muli %scan3A_249, %mul3A_258 : i32
      %add3A_260 = arith.constant 0 : i32
      %add3A_261 = arith.addi %mul3A_259, %add3A_260 : i32
      %get3A = arith.index_cast %add3A_261 : i32 to index
      %get3A_262 = tpu.vector_load %arg4[%get3A] {strides = array<i32>} : memref<8192xf32, #tpu.memory_space<vmem>>, vector<16xf32>,
      %get3A_263 = vector.shape_cast %get3A_262 : vector<16xf32> to vector<16xf32>
      %ge3A_264 = arith.cmpf oge, %get3A_263, %broadcast_in_dim3A_132 : vector<16xf32>
      %add3A_265 = arith.addi %scan3A_250, %broadcast_in_dim3A_134 : vector<16xi32>
      %select_n3A_266 = arith.select %ge3A_264, %add3A_265, %scan3A_250 : vector<16xi1>, vector<16xi32>
      %add3A_267 = arith.constant 16 : i32
      %add3A_268 = arith.addi %mul3A_259, %add3A_267 : i32
      %get3A_269 = arith.index_cast %add3A_268 : i32 to index
      %get3A_270 = tpu.vector_load %arg4[%get3A_269] {strides = array<i32>} : memref<8192xf32, #tpu.memory_space<vmem>>, vector<16xf32>,
      %get3A_271 = vector.shape_cast %get3A_270 : vector<16xf32> to vector<16xf32>
      %ge3A_272 = arith.cmpf oge, %get3A_271, %broadcast_in_dim3A_132 : vector<16xf32>
      %add3A_273 = arith.addi %scan3A_251, %broadcast_in_dim3A_134 : vector<16xi32>
      %select_n3A_274 = arith.select %ge3A_272, %add3A_273, %scan3A_251 : vector<16xi1>, vector<16xi32>
      %add3A_275 = arith.constant 32 : i32
      %add3A_276 = arith.addi %mul3A_259, %add3A_275 : i32
      %get3A_277 = arith.index_cast %add3A_276 : i32 to index
      %get3A_278 = tpu.vector_load %arg4[%get3A_277] {strides = array<i32>} : memref<8192xf32, #tpu.memory_space<vmem>>, vector<16xf32>,
      %get3A_279 = vector.shape_cast %get3A_278 : vector<16xf32> to vector<16xf32>
      %ge3A_280 = arith.cmpf oge, %get3A_279, %broadcast_in_dim3A_132 : vector<16xf32>
      %add3A_281 = arith.addi %scan3A_252, %broadcast_in_dim3A_134 : vector<16xi32>
      %select_n3A_282 = arith.select %ge3A_280, %add3A_281, %scan3A_252 : vector<16xi1>, vector<16xi32>
      %add3A_283 = arith.constant 48 : i32
      %add3A_284 = arith.addi %mul3A_259, %add3A_283 : i32
      %get3A_285 = arith.index_cast %add3A_284 : i32 to index
      %get3A_286 = tpu.vector_load %arg4[%get3A_285] {strides = array<i32>} : memref<8192xf32, #tpu.memory_space<vmem>>, vector<16xf32>,
      %get3A_287 = vector.shape_cast %get3A_286 : vector<16xf32> to vector<16xf32>
      %ge3A_288 = arith.cmpf oge, %get3A_287, %broadcast_in_dim3A_132 : vector<16xf32>
      %add3A_289 = arith.addi %scan3A_253, %broadcast_in_dim3A_134 : vector<16xi32>
      %select_n3A_290 = arith.select %ge3A_288, %add3A_289, %scan3A_253 : vector<16xi1>, vector<16xi32>
      %add3A_291 = arith.constant 64 : i32
      %add3A_292 = arith.addi %mul3A_259, %add3A_291 : i32
      %get3A_293 = arith.index_cast %add3A_292 : i32 to index
      %get3A_294 = tpu.vector_load %arg4[%get3A_293] {strides = array<i32>} : memref<8192xf32, #tpu.memory_space<vmem>>, vector<16xf32>,
      %get3A_295 = vector.shape_cast %get3A_294 : vector<16xf32> to vector<16xf32>
      %ge3A_296 = arith.cmpf oge, %get3A_295, %broadcast_in_dim3A_132 : vector<16xf32>
      %add3A_297 = arith.addi %scan3A_254, %broadcast_in_dim3A_134 : vector<16xi32>
      %select_n3A_298 = arith.select %ge3A_296, %add3A_297, %scan3A_254 : vector<16xi1>, vector<16xi32>
      %add3A_299 = arith.constant 80 : i32
      %add3A_300 = arith.addi %mul3A_259, %add3A_299 : i32
      %get3A_301 = arith.index_cast %add3A_300 : i32 to index
      %get3A_302 = tpu.vector_load %arg4[%get3A_301] {strides = array<i32>} : memref<8192xf32, #tpu.memory_space<vmem>>, vector<16xf32>,
      %get3A_303 = vector.shape_cast %get3A_302 : vector<16xf32> to vector<16xf32>
      %ge3A_304 = arith.cmpf oge, %get3A_303, %broadcast_in_dim3A_132 : vector<16xf32>
      %add3A_305 = arith.addi %scan3A_255, %broadcast_in_dim3A_134 : vector<16xi32>
      %select_n3A_306 = arith.select %ge3A_304, %add3A_305, %scan3A_255 : vector<16xi1>, vector<16xi32>
      %add3A_307 = arith.constant 96 : i32
      %add3A_308 = arith.addi %mul3A_259, %add3A_307 : i32
      %get3A_309 = arith.index_cast %add3A_308 : i32 to index
      %get3A_310 = tpu.vector_load %arg4[%get3A_309] {strides = array<i32>} : memref<8192xf32, #tpu.memory_space<vmem>>, vector<16xf32>,
      %get3A_311 = vector.shape_cast %get3A_310 : vector<16xf32> to vector<16xf32>
      %ge3A_312 = arith.cmpf oge, %get3A_311, %broadcast_in_dim3A_132 : vector<16xf32>
      %add3A_313 = arith.addi %scan3A_256, %broadcast_in_dim3A_134 : vector<16xi32>
      %select_n3A_314 = arith.select %ge3A_312, %add3A_313, %scan3A_256 : vector<16xi1>, vector<16xi32>
      %add3A_315 = arith.constant 112 : i32
      %add3A_316 = arith.addi %mul3A_259, %add3A_315 : i32
      %get3A_317 = arith.index_cast %add3A_316 : i32 to index
      %get3A_318 = tpu.vector_load %arg4[%get3A_317] {strides = array<i32>} : memref<8192xf32, #tpu.memory_space<vmem>>, vector<16xf32>,
      %get3A_319 = vector.shape_cast %get3A_318 : vector<16xf32> to vector<16xf32>
      %ge3A_320 = arith.cmpf oge, %get3A_319, %broadcast_in_dim3A_132 : vector<16xf32>
      %add3A_321 = arith.addi %scan3A_257, %broadcast_in_dim3A_134 : vector<16xi32>
      %select_n3A_322 = arith.select %ge3A_320, %add3A_321, %scan3A_257 : vector<16xi1>, vector<16xi32>
      scf.yield %select_n3A_266, %select_n3A_274, %select_n3A_282, %select_n3A_290, %select_n3A_298, %select_n3A_306, %select_n3A_314, %select_n3A_322 : vector<16xi32>, vector<16xi32>, vector<16xi32>, vector<16xi32>, vector<16xi32>, vector<16xi32>, vector<16xi32>, vector<16xi32>
    }
    %scan3A_156 = arith.constant 64 : i32
    %add3A_157 = arith.addi %scan3A_155#0, %scan3A_155#1 : vector<16xi32>
    %add3A_158 = arith.addi %add3A_157, %scan3A_155#2 : vector<16xi32>
    %add3A_159 = arith.addi %add3A_158, %scan3A_155#3 : vector<16xi32>
    %add3A_160 = arith.addi %add3A_159, %scan3A_155#4 : vector<16xi32>
    %add3A_161 = arith.addi %add3A_160, %scan3A_155#5 : vector<16xi32>
    %add3A_162 = arith.addi %add3A_161, %scan3A_155#6 : vector<16xi32>
    %add3A_163 = arith.addi %add3A_162, %scan3A_155#7 : vector<16xi32>
    %iota3A_164 = tpu.iota {dimensions = array<i32: 0>} : vector<16xi32>
    %xor3A_165 = arith.constant 1 : i32
    %xor3A_166 = vector.broadcast %xor3A_165 : i32 to vector<16xi32>
    %xor3A_167 = arith.xori %iota3A_164, %xor3A_166 : vector<16xi32>
    %lt3A_168 = arith.constant 0 : i32
    %lt3A_169 = vector.broadcast %lt3A_168 : i32 to vector<16xi32>
    %lt3A_170 = arith.cmpi slt, %xor3A_167, %lt3A_169 : vector<16xi32>
    %add3A_171 = arith.constant 16 : i32
    %add3A_172 = vector.broadcast %add3A_171 : i32 to vector<16xi32>
    %add3A_173 = arith.addi %xor3A_167, %add3A_172 : vector<16xi32>
    %select_n3A_174 = arith.select %lt3A_170, %add3A_173, %xor3A_167 : vector<16xi1>, vector<16xi32>
    %broadcast_in_dim3A_175 = vector.shape_cast %select_n3A_174 : vector<16xi32> to vector<16x1xi32>
    %gather3A_176 = vector.shape_cast %broadcast_in_dim3A_175 : vector<16x1xi32> to vector<16xi32>
    %gather3A_177 = tpu.dynamic_gather %add3A_163[%gather3A_176] in [0] : vector<16xi32>, vector<16xi32> -> vector<16xi32>
    %add3A_178 = arith.addi %add3A_163, %gather3A_177 : vector<16xi32>
    %xor3A_179 = arith.constant 2 : i32
    %xor3A_180 = vector.broadcast %xor3A_179 : i32 to vector<16xi32>
    %xor3A_181 = arith.xori %iota3A_164, %xor3A_180 : vector<16xi32>
    %lt3A_182 = arith.constant 0 : i32
    %lt3A_183 = vector.broadcast %lt3A_182 : i32 to vector<16xi32>
    %lt3A_184 = arith.cmpi slt, %xor3A_181, %lt3A_183 : vector<16xi32>
    %add3A_185 = arith.constant 16 : i32
    %add3A_186 = vector.broadcast %add3A_185 : i32 to vector<16xi32>
    %add3A_187 = arith.addi %xor3A_181, %add3A_186 : vector<16xi32>
    %select_n3A_188 = arith.select %lt3A_184, %add3A_187, %xor3A_181 : vector<16xi1>, vector<16xi32>
    %broadcast_in_dim3A_189 = vector.shape_cast %select_n3A_188 : vector<16xi32> to vector<16x1xi32>
    %gather3A_190 = vector.shape_cast %broadcast_in_dim3A_189 : vector<16x1xi32> to vector<16xi32>
    %gather3A_191 = tpu.dynamic_gather %add3A_178[%gather3A_190] in [0] : vector<16xi32>, vector<16xi32> -> vector<16xi32>
    %add3A_192 = arith.addi %add3A_178, %gather3A_191 : vector<16xi32>
    %xor3A_193 = arith.constant 4 : i32
    %xor3A_194 = vector.broadcast %xor3A_193 : i32 to vector<16xi32>
    %xor3A_195 = arith.xori %iota3A_164, %xor3A_194 : vector<16xi32>
    %lt3A_196 = arith.constant 0 : i32
    %lt3A_197 = vector.broadcast %lt3A_196 : i32 to vector<16xi32>
    %lt3A_198 = arith.cmpi slt, %xor3A_195, %lt3A_197 : vector<16xi32>
    %add3A_199 = arith.constant 16 : i32
    %add3A_200 = vector.broadcast %add3A_199 : i32 to vector<16xi32>
    %add3A_201 = arith.addi %xor3A_195, %add3A_200 : vector<16xi32>
    %select_n3A_202 = arith.select %lt3A_198, %add3A_201, %xor3A_195 : vector<16xi1>, vector<16xi32>
    %broadcast_in_dim3A_203 = vector.shape_cast %select_n3A_202 : vector<16xi32> to vector<16x1xi32>
    %gather3A_204 = vector.shape_cast %broadcast_in_dim3A_203 : vector<16x1xi32> to vector<16xi32>
    %gather3A_205 = tpu.dynamic_gather %add3A_192[%gather3A_204] in [0] : vector<16xi32>, vector<16xi32> -> vector<16xi32>
    %add3A_206 = arith.addi %add3A_192, %gather3A_205 : vector<16xi32>
    %xor3A_207 = arith.constant 8 : i32
    %xor3A_208 = vector.broadcast %xor3A_207 : i32 to vector<16xi32>
    %xor3A_209 = arith.xori %iota3A_164, %xor3A_208 : vector<16xi32>
    %lt3A_210 = arith.constant 0 : i32
    %lt3A_211 = vector.broadcast %lt3A_210 : i32 to vector<16xi32>
    %lt3A_212 = arith.cmpi slt, %xor3A_209, %lt3A_211 : vector<16xi32>
    %add3A_213 = arith.constant 16 : i32
    %add3A_214 = vector.broadcast %add3A_213 : i32 to vector<16xi32>
    %add3A_215 = arith.addi %xor3A_209, %add3A_214 : vector<16xi32>
    %select_n3A_216 = arith.select %lt3A_212, %add3A_215, %xor3A_209 : vector<16xi1>, vector<16xi32>
    %broadcast_in_dim3A_217 = vector.shape_cast %select_n3A_216 : vector<16xi32> to vector<16x1xi32>
    %gather3A_218 = vector.shape_cast %broadcast_in_dim3A_217 : vector<16x1xi32> to vector<16xi32>
    %gather3A_219 = tpu.dynamic_gather %add3A_206[%gather3A_218] in [0] : vector<16xi32>, vector<16xi32> -> vector<16xi32>
    %add3A_220 = arith.addi %add3A_206, %gather3A_219 : vector<16xi32>
    %slice3A_221 = vector.extract_strided_slice %add3A_220 {offsets = [0], sizes = [1], strides = [1]} : vector<16xi32> to vector<1xi32>
    %squeeze3A_222 = vector.extract %slice3A_221[0] : i32 from vector<1xi32>
    %ge3A_223 = arith.constant 1639 : i32
    %ge3A_224 = arith.cmpi sge, %squeeze3A_222, %ge3A_223 : i32
    %jit3A_225 = arith.constant 0 : i32
    %jit3A_226 = arith.constant -2147483648 : i32
    %select_n3A_227 = arith.select %ge3A_224, %jit3A_225, %jit3A_226 : i32
    %scan3A_228 = arith.constant 0 : i32
    %scan3A_229 = arith.constant 31 : i32
    %scan3A_230 = arith.addi %scan3A_228, %scan3A_229 : i32
    %scan3A_231 = arith.constant 1 : i32
    %scan3A_232 = scf.for %scan3A_249 = %scan3A_228 to %scan3A_230 step %scan3A_231 iter_args(%scan3A_250 = %select_n3A_227) -> (i32)  : i32 {
      %sub3A = arith.constant 30 : i32
      %sub3A_251 = arith.subi %sub3A, %scan3A_249 : i32
      %shift_left3A = arith.constant 1 : i32
      %shift_left3A_252 = arith.shli %shift_left3A, %sub3A_251 : i32
      %or3A = arith.ori %scan3A_250, %shift_left3A_252 : i32
      %lt3A_253 = arith.constant 0 : i32
      %lt3A_254 = arith.cmpi slt, %or3A, %lt3A_253 : i32
      %xor3A_255 = arith.constant 2147483647 : i32
      %xor3A_256 = arith.xori %or3A, %xor3A_255 : i32
      %select_n3A_257 = arith.select %lt3A_254, %xor3A_256, %or3A : i32
      %bitcast_convert_type3A_258 = arith.bitcast %select_n3A_257 : i32 to f32
      %broadcast_in_dim3A_259 = vector.broadcast %bitcast_convert_type3A_258 : f32 to vector<16xf32>
      %broadcast_in_dim3A_260 = arith.constant 1 : i32
      %broadcast_in_dim3A_261 = vector.broadcast %broadcast_in_dim3A_260 : i32 to vector<16xi32>
      %broadcast_in_dim3A_262 = arith.constant 0 : i32
      %broadcast_in_dim3A_263 = vector.broadcast %broadcast_in_dim3A_262 : i32 to vector<16xi32>
      %broadcast_in_dim3A_264 = arith.constant 0 : i32
      %broadcast_in_dim3A_265 = vector.broadcast %broadcast_in_dim3A_264 : i32 to vector<16xi32>
      %broadcast_in_dim3A_266 = arith.constant 0 : i32
      %broadcast_in_dim3A_267 = vector.broadcast %broadcast_in_dim3A_266 : i32 to vector<16xi32>
      %broadcast_in_dim3A_268 = arith.constant 0 : i32
      %broadcast_in_dim3A_269 = vector.broadcast %broadcast_in_dim3A_268 : i32 to vector<16xi32>
      %broadcast_in_dim3A_270 = arith.constant 0 : i32
      %broadcast_in_dim3A_271 = vector.broadcast %broadcast_in_dim3A_270 : i32 to vector<16xi32>
      %broadcast_in_dim3A_272 = arith.constant 0 : i32
      %broadcast_in_dim3A_273 = vector.broadcast %broadcast_in_dim3A_272 : i32 to vector<16xi32>
      %broadcast_in_dim3A_274 = arith.constant 0 : i32
      %broadcast_in_dim3A_275 = vector.broadcast %broadcast_in_dim3A_274 : i32 to vector<16xi32>
      %broadcast_in_dim3A_276 = arith.constant 0 : i32
      %broadcast_in_dim3A_277 = vector.broadcast %broadcast_in_dim3A_276 : i32 to vector<16xi32>
      %scan3A_278 = arith.constant 0 : i32
      %scan3A_279 = arith.constant 64 : i32
      %scan3A_280 = arith.addi %scan3A_278, %scan3A_279 : i32
      %scan3A_281 = arith.constant 1 : i32
      %scan3A_282:8 = scf.for %scan3A_353 = %scan3A_278 to %scan3A_280 step %scan3A_281 iter_args(%scan3A_354 = %broadcast_in_dim3A_263, %scan3A_355 = %broadcast_in_dim3A_265, %scan3A_356 = %broadcast_in_dim3A_267, %scan3A_357 = %broadcast_in_dim3A_269, %scan3A_358 = %broadcast_in_dim3A_271, %scan3A_359 = %broadcast_in_dim3A_273, %scan3A_360 = %broadcast_in_dim3A_275, %scan3A_361 = %broadcast_in_dim3A_277) -> (vector<16xi32>, vector<16xi32>, vector<16xi32>, vector<16xi32>, vector<16xi32>, vector<16xi32>, vector<16xi32>, vector<16xi32>)  : i32 {
        %mul3A_362 = arith.constant 128 : i32
        %mul3A_363 = arith.muli %scan3A_353, %mul3A_362 : i32
        %add3A_364 = arith.constant 0 : i32
        %add3A_365 = arith.addi %mul3A_363, %add3A_364 : i32
        %get3A = arith.index_cast %add3A_365 : i32 to index
        %get3A_366 = tpu.vector_load %arg4[%get3A] {strides = array<i32>} : memref<8192xf32, #tpu.memory_space<vmem>>, vector<16xf32>,
        %get3A_367 = vector.shape_cast %get3A_366 : vector<16xf32> to vector<16xf32>
        %ge3A_368 = arith.cmpf oge, %get3A_367, %broadcast_in_dim3A_259 : vector<16xf32>
        %add3A_369 = arith.addi %scan3A_354, %broadcast_in_dim3A_261 : vector<16xi32>
        %select_n3A_370 = arith.select %ge3A_368, %add3A_369, %scan3A_354 : vector<16xi1>, vector<16xi32>
        %add3A_371 = arith.constant 16 : i32
        %add3A_372 = arith.addi %mul3A_363, %add3A_371 : i32
        %get3A_373 = arith.index_cast %add3A_372 : i32 to index
        %get3A_374 = tpu.vector_load %arg4[%get3A_373] {strides = array<i32>} : memref<8192xf32, #tpu.memory_space<vmem>>, vector<16xf32>,
        %get3A_375 = vector.shape_cast %get3A_374 : vector<16xf32> to vector<16xf32>
        %ge3A_376 = arith.cmpf oge, %get3A_375, %broadcast_in_dim3A_259 : vector<16xf32>
        %add3A_377 = arith.addi %scan3A_355, %broadcast_in_dim3A_261 : vector<16xi32>
        %select_n3A_378 = arith.select %ge3A_376, %add3A_377, %scan3A_355 : vector<16xi1>, vector<16xi32>
        %add3A_379 = arith.constant 32 : i32
        %add3A_380 = arith.addi %mul3A_363, %add3A_379 : i32
        %get3A_381 = arith.index_cast %add3A_380 : i32 to index
        %get3A_382 = tpu.vector_load %arg4[%get3A_381] {strides = array<i32>} : memref<8192xf32, #tpu.memory_space<vmem>>, vector<16xf32>,
        %get3A_383 = vector.shape_cast %get3A_382 : vector<16xf32> to vector<16xf32>
        %ge3A_384 = arith.cmpf oge, %get3A_383, %broadcast_in_dim3A_259 : vector<16xf32>
        %add3A_385 = arith.addi %scan3A_356, %broadcast_in_dim3A_261 : vector<16xi32>
        %select_n3A_386 = arith.select %ge3A_384, %add3A_385, %scan3A_356 : vector<16xi1>, vector<16xi32>
        %add3A_387 = arith.constant 48 : i32
        %add3A_388 = arith.addi %mul3A_363, %add3A_387 : i32
        %get3A_389 = arith.index_cast %add3A_388 : i32 to index
        %get3A_390 = tpu.vector_load %arg4[%get3A_389] {strides = array<i32>} : memref<8192xf32, #tpu.memory_space<vmem>>, vector<16xf32>,
        %get3A_391 = vector.shape_cast %get3A_390 : vector<16xf32> to vector<16xf32>
        %ge3A_392 = arith.cmpf oge, %get3A_391, %broadcast_in_dim3A_259 : vector<16xf32>
        %add3A_393 = arith.addi %scan3A_357, %broadcast_in_dim3A_261 : vector<16xi32>
        %select_n3A_394 = arith.select %ge3A_392, %add3A_393, %scan3A_357 : vector<16xi1>, vector<16xi32>
        %add3A_395 = arith.constant 64 : i32
        %add3A_396 = arith.addi %mul3A_363, %add3A_395 : i32
        %get3A_397 = arith.index_cast %add3A_396 : i32 to index
        %get3A_398 = tpu.vector_load %arg4[%get3A_397] {strides = array<i32>} : memref<8192xf32, #tpu.memory_space<vmem>>, vector<16xf32>,
        %get3A_399 = vector.shape_cast %get3A_398 : vector<16xf32> to vector<16xf32>
        %ge3A_400 = arith.cmpf oge, %get3A_399, %broadcast_in_dim3A_259 : vector<16xf32>
        %add3A_401 = arith.addi %scan3A_358, %broadcast_in_dim3A_261 : vector<16xi32>
        %select_n3A_402 = arith.select %ge3A_400, %add3A_401, %scan3A_358 : vector<16xi1>, vector<16xi32>
        %add3A_403 = arith.constant 80 : i32
        %add3A_404 = arith.addi %mul3A_363, %add3A_403 : i32
        %get3A_405 = arith.index_cast %add3A_404 : i32 to index
        %get3A_406 = tpu.vector_load %arg4[%get3A_405] {strides = array<i32>} : memref<8192xf32, #tpu.memory_space<vmem>>, vector<16xf32>,
        %get3A_407 = vector.shape_cast %get3A_406 : vector<16xf32> to vector<16xf32>
        %ge3A_408 = arith.cmpf oge, %get3A_407, %broadcast_in_dim3A_259 : vector<16xf32>
        %add3A_409 = arith.addi %scan3A_359, %broadcast_in_dim3A_261 : vector<16xi32>
        %select_n3A_410 = arith.select %ge3A_408, %add3A_409, %scan3A_359 : vector<16xi1>, vector<16xi32>
        %add3A_411 = arith.constant 96 : i32
        %add3A_412 = arith.addi %mul3A_363, %add3A_411 : i32
        %get3A_413 = arith.index_cast %add3A_412 : i32 to index
        %get3A_414 = tpu.vector_load %arg4[%get3A_413] {strides = array<i32>} : memref<8192xf32, #tpu.memory_space<vmem>>, vector<16xf32>,
        %get3A_415 = vector.shape_cast %get3A_414 : vector<16xf32> to vector<16xf32>
        %ge3A_416 = arith.cmpf oge, %get3A_415, %broadcast_in_dim3A_259 : vector<16xf32>
        %add3A_417 = arith.addi %scan3A_360, %broadcast_in_dim3A_261 : vector<16xi32>
        %select_n3A_418 = arith.select %ge3A_416, %add3A_417, %scan3A_360 : vector<16xi1>, vector<16xi32>
        %add3A_419 = arith.constant 112 : i32
        %add3A_420 = arith.addi %mul3A_363, %add3A_419 : i32
        %get3A_421 = arith.index_cast %add3A_420 : i32 to index
        %get3A_422 = tpu.vector_load %arg4[%get3A_421] {strides = array<i32>} : memref<8192xf32, #tpu.memory_space<vmem>>, vector<16xf32>,
        %get3A_423 = vector.shape_cast %get3A_422 : vector<16xf32> to vector<16xf32>
        %ge3A_424 = arith.cmpf oge, %get3A_423, %broadcast_in_dim3A_259 : vector<16xf32>
        %add3A_425 = arith.addi %scan3A_361, %broadcast_in_dim3A_261 : vector<16xi32>
        %select_n3A_426 = arith.select %ge3A_424, %add3A_425, %scan3A_361 : vector<16xi1>, vector<16xi32>
        scf.yield %select_n3A_370, %select_n3A_378, %select_n3A_386, %select_n3A_394, %select_n3A_402, %select_n3A_410, %select_n3A_418, %select_n3A_426 : vector<16xi32>, vector<16xi32>, vector<16xi32>, vector<16xi32>, vector<16xi32>, vector<16xi32>, vector<16xi32>, vector<16xi32>
      }
      %scan3A_283 = arith.constant 64 : i32
      %add3A_284 = arith.addi %scan3A_282#0, %scan3A_282#1 : vector<16xi32>
      %add3A_285 = arith.addi %add3A_284, %scan3A_282#2 : vector<16xi32>
      %add3A_286 = arith.addi %add3A_285, %scan3A_282#3 : vector<16xi32>
      %add3A_287 = arith.addi %add3A_286, %scan3A_282#4 : vector<16xi32>
      %add3A_288 = arith.addi %add3A_287, %scan3A_282#5 : vector<16xi32>
      %add3A_289 = arith.addi %add3A_288, %scan3A_282#6 : vector<16xi32>
      %add3A_290 = arith.addi %add3A_289, %scan3A_282#7 : vector<16xi32>
      %iota3A_291 = tpu.iota {dimensions = array<i32: 0>} : vector<16xi32>
      %xor3A_292 = arith.constant 1 : i32
      %xor3A_293 = vector.broadcast %xor3A_292 : i32 to vector<16xi32>
      %xor3A_294 = arith.xori %iota3A_291, %xor3A_293 : vector<16xi32>
      %lt3A_295 = arith.constant 0 : i32
      %lt3A_296 = vector.broadcast %lt3A_295 : i32 to vector<16xi32>
      %lt3A_297 = arith.cmpi slt, %xor3A_294, %lt3A_296 : vector<16xi32>
      %add3A_298 = arith.constant 16 : i32
      %add3A_299 = vector.broadcast %add3A_298 : i32 to vector<16xi32>
      %add3A_300 = arith.addi %xor3A_294, %add3A_299 : vector<16xi32>
      %select_n3A_301 = arith.select %lt3A_297, %add3A_300, %xor3A_294 : vector<16xi1>, vector<16xi32>
      %broadcast_in_dim3A_302 = vector.shape_cast %select_n3A_301 : vector<16xi32> to vector<16x1xi32>
      %gather3A_303 = vector.shape_cast %broadcast_in_dim3A_302 : vector<16x1xi32> to vector<16xi32>
      %gather3A_304 = tpu.dynamic_gather %add3A_290[%gather3A_303] in [0] : vector<16xi32>, vector<16xi32> -> vector<16xi32>
      %add3A_305 = arith.addi %add3A_290, %gather3A_304 : vector<16xi32>
      %xor3A_306 = arith.constant 2 : i32
      %xor3A_307 = vector.broadcast %xor3A_306 : i32 to vector<16xi32>
      %xor3A_308 = arith.xori %iota3A_291, %xor3A_307 : vector<16xi32>
      %lt3A_309 = arith.constant 0 : i32
      %lt3A_310 = vector.broadcast %lt3A_309 : i32 to vector<16xi32>
      %lt3A_311 = arith.cmpi slt, %xor3A_308, %lt3A_310 : vector<16xi32>
      %add3A_312 = arith.constant 16 : i32
      %add3A_313 = vector.broadcast %add3A_312 : i32 to vector<16xi32>
      %add3A_314 = arith.addi %xor3A_308, %add3A_313 : vector<16xi32>
      %select_n3A_315 = arith.select %lt3A_311, %add3A_314, %xor3A_308 : vector<16xi1>, vector<16xi32>
      %broadcast_in_dim3A_316 = vector.shape_cast %select_n3A_315 : vector<16xi32> to vector<16x1xi32>
      %gather3A_317 = vector.shape_cast %broadcast_in_dim3A_316 : vector<16x1xi32> to vector<16xi32>
      %gather3A_318 = tpu.dynamic_gather %add3A_305[%gather3A_317] in [0] : vector<16xi32>, vector<16xi32> -> vector<16xi32>
      %add3A_319 = arith.addi %add3A_305, %gather3A_318 : vector<16xi32>
      %xor3A_320 = arith.constant 4 : i32
      %xor3A_321 = vector.broadcast %xor3A_320 : i32 to vector<16xi32>
      %xor3A_322 = arith.xori %iota3A_291, %xor3A_321 : vector<16xi32>
      %lt3A_323 = arith.constant 0 : i32
      %lt3A_324 = vector.broadcast %lt3A_323 : i32 to vector<16xi32>
      %lt3A_325 = arith.cmpi slt, %xor3A_322, %lt3A_324 : vector<16xi32>
      %add3A_326 = arith.constant 16 : i32
      %add3A_327 = vector.broadcast %add3A_326 : i32 to vector<16xi32>
      %add3A_328 = arith.addi %xor3A_322, %add3A_327 : vector<16xi32>
      %select_n3A_329 = arith.select %lt3A_325, %add3A_328, %xor3A_322 : vector<16xi1>, vector<16xi32>
      %broadcast_in_dim3A_330 = vector.shape_cast %select_n3A_329 : vector<16xi32> to vector<16x1xi32>
      %gather3A_331 = vector.shape_cast %broadcast_in_dim3A_330 : vector<16x1xi32> to vector<16xi32>
      %gather3A_332 = tpu.dynamic_gather %add3A_319[%gather3A_331] in [0] : vector<16xi32>, vector<16xi32> -> vector<16xi32>
      %add3A_333 = arith.addi %add3A_319, %gather3A_332 : vector<16xi32>
      %xor3A_334 = arith.constant 8 : i32
      %xor3A_335 = vector.broadcast %xor3A_334 : i32 to vector<16xi32>
      %xor3A_336 = arith.xori %iota3A_291, %xor3A_335 : vector<16xi32>
      %lt3A_337 = arith.constant 0 : i32
      %lt3A_338 = vector.broadcast %lt3A_337 : i32 to vector<16xi32>
      %lt3A_339 = arith.cmpi slt, %xor3A_336, %lt3A_338 : vector<16xi32>
      %add3A_340 = arith.constant 16 : i32
      %add3A_341 = vector.broadcast %add3A_340 : i32 to vector<16xi32>
      %add3A_342 = arith.addi %xor3A_336, %add3A_341 : vector<16xi32>
      %select_n3A_343 = arith.select %lt3A_339, %add3A_342, %xor3A_336 : vector<16xi1>, vector<16xi32>
      %broadcast_in_dim3A_344 = vector.shape_cast %select_n3A_343 : vector<16xi32> to vector<16x1xi32>
      %gather3A_345 = vector.shape_cast %broadcast_in_dim3A_344 : vector<16x1xi32> to vector<16xi32>
      %gather3A_346 = tpu.dynamic_gather %add3A_333[%gather3A_345] in [0] : vector<16xi32>, vector<16xi32> -> vector<16xi32>
      %add3A_347 = arith.addi %add3A_333, %gather3A_346 : vector<16xi32>
      %slice3A_348 = vector.extract_strided_slice %add3A_347 {offsets = [0], sizes = [1], strides = [1]} : vector<16xi32> to vector<1xi32>
      %squeeze3A_349 = vector.extract %slice3A_348[0] : i32 from vector<1xi32>
      %ge3A_350 = arith.constant 1639 : i32
      %ge3A_351 = arith.cmpi sge, %squeeze3A_349, %ge3A_350 : i32
      %select_n3A_352 = arith.select %ge3A_351, %or3A, %scan3A_250 : i32
      scf.yield %select_n3A_352 : i32
    }
    %scan3A_233 = arith.constant 31 : i32
    %lt3A_234 = arith.constant 0 : i32
    %lt3A_235 = arith.cmpi slt, %scan3A_232, %lt3A_234 : i32
    %xor3A_236 = arith.constant 2147483647 : i32
    %xor3A_237 = arith.xori %scan3A_232, %xor3A_236 : i32
    %select_n3A_238 = arith.select %lt3A_235, %xor3A_237, %scan3A_232 : i32
    %bitcast_convert_type3A_239 = arith.bitcast %select_n3A_238 : i32 to f32
    %broadcast_in_dim3A_240 = vector.broadcast %bitcast_convert_type3A_239 : f32 to vector<16xf32>
    %broadcast_in_dim3A_241 = arith.constant 0.000000e+00 : f32
    %broadcast_in_dim3A_242 = vector.broadcast %broadcast_in_dim3A_241 : f32 to vector<16xf32>
    %scan3A_243 = arith.constant 0 : i32
    %scan3A_244 = arith.constant 0 : i32
    %scan3A_245 = arith.constant 64 : i32
    %scan3A_246 = arith.addi %scan3A_244, %scan3A_245 : i32
    %scan3A_247 = arith.constant 1 : i32
    scf.for %scan3A_249 = %scan3A_244 to %scan3A_246 step %scan3A_247  : i32 {
      %mul3A_250 = arith.constant 128 : i32
      %mul3A_251 = arith.muli %scan3A_249, %mul3A_250 : i32
      %add3A_252 = arith.constant 0 : i32
      %add3A_253 = arith.addi %mul3A_251, %add3A_252 : i32
      %get3A = arith.index_cast %add3A_253 : i32 to index
      %get3A_254 = tpu.vector_load %arg4[%get3A] {strides = array<i32>} : memref<8192xf32, #tpu.memory_space<vmem>>, vector<16xf32>,
      %get3A_255 = vector.shape_cast %get3A_254 : vector<16xf32> to vector<16xf32>
      %ge3A_256 = arith.cmpf oge, %get3A_255, %broadcast_in_dim3A_240 : vector<16xf32>
      %select_n3A_257 = arith.select %ge3A_256, %get3A_255, %broadcast_in_dim3A_242 : vector<16xi1>, vector<16xf32>
      %add3A_258 = arith.constant 0 : i32
      %add3A_259 = arith.addi %mul3A_251, %add3A_258 : i32
      %swap3A = arith.index_cast %add3A_259 : i32 to index
      %swap3A_260 = tpu.vector_load %arg4[%swap3A] {strides = array<i32>} : memref<8192xf32, #tpu.memory_space<vmem>>, vector<16xf32>,
      %swap3A_261 = vector.shape_cast %swap3A_260 : vector<16xf32> to vector<16xf32>
      %swap3A_262 = vector.shape_cast %select_n3A_257 : vector<16xf32> to vector<16xf32>
      tpu.vector_store %arg4[%swap3A], %swap3A_262 {strides = array<i32>} : memref<8192xf32, #tpu.memory_space<vmem>>, vector<16xf32>,
      %add3A_263 = arith.constant 16 : i32
      %add3A_264 = arith.addi %mul3A_251, %add3A_263 : i32
      %get3A_265 = arith.index_cast %add3A_264 : i32 to index
      %get3A_266 = tpu.vector_load %arg4[%get3A_265] {strides = array<i32>} : memref<8192xf32, #tpu.memory_space<vmem>>, vector<16xf32>,
      %get3A_267 = vector.shape_cast %get3A_266 : vector<16xf32> to vector<16xf32>
      %ge3A_268 = arith.cmpf oge, %get3A_267, %broadcast_in_dim3A_240 : vector<16xf32>
      %select_n3A_269 = arith.select %ge3A_268, %get3A_267, %broadcast_in_dim3A_242 : vector<16xi1>, vector<16xf32>
      %add3A_270 = arith.constant 16 : i32
      %add3A_271 = arith.addi %mul3A_251, %add3A_270 : i32
      %swap3A_272 = arith.index_cast %add3A_271 : i32 to index
      %swap3A_273 = tpu.vector_load %arg4[%swap3A_272] {strides = array<i32>} : memref<8192xf32, #tpu.memory_space<vmem>>, vector<16xf32>,
      %swap3A_274 = vector.shape_cast %swap3A_273 : vector<16xf32> to vector<16xf32>
      %swap3A_275 = vector.shape_cast %select_n3A_269 : vector<16xf32> to vector<16xf32>
      tpu.vector_store %arg4[%swap3A_272], %swap3A_275 {strides = array<i32>} : memref<8192xf32, #tpu.memory_space<vmem>>, vector<16xf32>,
      %add3A_276 = arith.constant 32 : i32
      %add3A_277 = arith.addi %mul3A_251, %add3A_276 : i32
      %get3A_278 = arith.index_cast %add3A_277 : i32 to index
      %get3A_279 = tpu.vector_load %arg4[%get3A_278] {strides = array<i32>} : memref<8192xf32, #tpu.memory_space<vmem>>, vector<16xf32>,
      %get3A_280 = vector.shape_cast %get3A_279 : vector<16xf32> to vector<16xf32>
      %ge3A_281 = arith.cmpf oge, %get3A_280, %broadcast_in_dim3A_240 : vector<16xf32>
      %select_n3A_282 = arith.select %ge3A_281, %get3A_280, %broadcast_in_dim3A_242 : vector<16xi1>, vector<16xf32>
      %add3A_283 = arith.constant 32 : i32
      %add3A_284 = arith.addi %mul3A_251, %add3A_283 : i32
      %swap3A_285 = arith.index_cast %add3A_284 : i32 to index
      %swap3A_286 = tpu.vector_load %arg4[%swap3A_285] {strides = array<i32>} : memref<8192xf32, #tpu.memory_space<vmem>>, vector<16xf32>,
      %swap3A_287 = vector.shape_cast %swap3A_286 : vector<16xf32> to vector<16xf32>
      %swap3A_288 = vector.shape_cast %select_n3A_282 : vector<16xf32> to vector<16xf32>
      tpu.vector_store %arg4[%swap3A_285], %swap3A_288 {strides = array<i32>} : memref<8192xf32, #tpu.memory_space<vmem>>, vector<16xf32>,
      %add3A_289 = arith.constant 48 : i32
      %add3A_290 = arith.addi %mul3A_251, %add3A_289 : i32
      %get3A_291 = arith.index_cast %add3A_290 : i32 to index
      %get3A_292 = tpu.vector_load %arg4[%get3A_291] {strides = array<i32>} : memref<8192xf32, #tpu.memory_space<vmem>>, vector<16xf32>,
      %get3A_293 = vector.shape_cast %get3A_292 : vector<16xf32> to vector<16xf32>
      %ge3A_294 = arith.cmpf oge, %get3A_293, %broadcast_in_dim3A_240 : vector<16xf32>
      %select_n3A_295 = arith.select %ge3A_294, %get3A_293, %broadcast_in_dim3A_242 : vector<16xi1>, vector<16xf32>
      %add3A_296 = arith.constant 48 : i32
      %add3A_297 = arith.addi %mul3A_251, %add3A_296 : i32
      %swap3A_298 = arith.index_cast %add3A_297 : i32 to index
      %swap3A_299 = tpu.vector_load %arg4[%swap3A_298] {strides = array<i32>} : memref<8192xf32, #tpu.memory_space<vmem>>, vector<16xf32>,
      %swap3A_300 = vector.shape_cast %swap3A_299 : vector<16xf32> to vector<16xf32>
      %swap3A_301 = vector.shape_cast %select_n3A_295 : vector<16xf32> to vector<16xf32>
      tpu.vector_store %arg4[%swap3A_298], %swap3A_301 {strides = array<i32>} : memref<8192xf32, #tpu.memory_space<vmem>>, vector<16xf32>,
      %add3A_302 = arith.constant 64 : i32
      %add3A_303 = arith.addi %mul3A_251, %add3A_302 : i32
      %get3A_304 = arith.index_cast %add3A_303 : i32 to index
      %get3A_305 = tpu.vector_load %arg4[%get3A_304] {strides = array<i32>} : memref<8192xf32, #tpu.memory_space<vmem>>, vector<16xf32>,
      %get3A_306 = vector.shape_cast %get3A_305 : vector<16xf32> to vector<16xf32>
      %ge3A_307 = arith.cmpf oge, %get3A_306, %broadcast_in_dim3A_240 : vector<16xf32>
      %select_n3A_308 = arith.select %ge3A_307, %get3A_306, %broadcast_in_dim3A_242 : vector<16xi1>, vector<16xf32>
      %add3A_309 = arith.constant 64 : i32
      %add3A_310 = arith.addi %mul3A_251, %add3A_309 : i32
      %swap3A_311 = arith.index_cast %add3A_310 : i32 to index
      %swap3A_312 = tpu.vector_load %arg4[%swap3A_311] {strides = array<i32>} : memref<8192xf32, #tpu.memory_space<vmem>>, vector<16xf32>,
      %swap3A_313 = vector.shape_cast %swap3A_312 : vector<16xf32> to vector<16xf32>
      %swap3A_314 = vector.shape_cast %select_n3A_308 : vector<16xf32> to vector<16xf32>
      tpu.vector_store %arg4[%swap3A_311], %swap3A_314 {strides = array<i32>} : memref<8192xf32, #tpu.memory_space<vmem>>, vector<16xf32>,
      %add3A_315 = arith.constant 80 : i32
      %add3A_316 = arith.addi %mul3A_251, %add3A_315 : i32
      %get3A_317 = arith.index_cast %add3A_316 : i32 to index
      %get3A_318 = tpu.vector_load %arg4[%get3A_317] {strides = array<i32>} : memref<8192xf32, #tpu.memory_space<vmem>>, vector<16xf32>,
      %get3A_319 = vector.shape_cast %get3A_318 : vector<16xf32> to vector<16xf32>
      %ge3A_320 = arith.cmpf oge, %get3A_319, %broadcast_in_dim3A_240 : vector<16xf32>
      %select_n3A_321 = arith.select %ge3A_320, %get3A_319, %broadcast_in_dim3A_242 : vector<16xi1>, vector<16xf32>
      %add3A_322 = arith.constant 80 : i32
      %add3A_323 = arith.addi %mul3A_251, %add3A_322 : i32
      %swap3A_324 = arith.index_cast %add3A_323 : i32 to index
      %swap3A_325 = tpu.vector_load %arg4[%swap3A_324] {strides = array<i32>} : memref<8192xf32, #tpu.memory_space<vmem>>, vector<16xf32>,
      %swap3A_326 = vector.shape_cast %swap3A_325 : vector<16xf32> to vector<16xf32>
      %swap3A_327 = vector.shape_cast %select_n3A_321 : vector<16xf32> to vector<16xf32>
      tpu.vector_store %arg4[%swap3A_324], %swap3A_327 {strides = array<i32>} : memref<8192xf32, #tpu.memory_space<vmem>>, vector<16xf32>,
      %add3A_328 = arith.constant 96 : i32
      %add3A_329 = arith.addi %mul3A_251, %add3A_328 : i32
      %get3A_330 = arith.index_cast %add3A_329 : i32 to index
      %get3A_331 = tpu.vector_load %arg4[%get3A_330] {strides = array<i32>} : memref<8192xf32, #tpu.memory_space<vmem>>, vector<16xf32>,
      %get3A_332 = vector.shape_cast %get3A_331 : vector<16xf32> to vector<16xf32>
      %ge3A_333 = arith.cmpf oge, %get3A_332, %broadcast_in_dim3A_240 : vector<16xf32>
      %select_n3A_334 = arith.select %ge3A_333, %get3A_332, %broadcast_in_dim3A_242 : vector<16xi1>, vector<16xf32>
      %add3A_335 = arith.constant 96 : i32
      %add3A_336 = arith.addi %mul3A_251, %add3A_335 : i32
      %swap3A_337 = arith.index_cast %add3A_336 : i32 to index
      %swap3A_338 = tpu.vector_load %arg4[%swap3A_337] {strides = array<i32>} : memref<8192xf32, #tpu.memory_space<vmem>>, vector<16xf32>,
      %swap3A_339 = vector.shape_cast %swap3A_338 : vector<16xf32> to vector<16xf32>
      %swap3A_340 = vector.shape_cast %select_n3A_334 : vector<16xf32> to vector<16xf32>
      tpu.vector_store %arg4[%swap3A_337], %swap3A_340 {strides = array<i32>} : memref<8192xf32, #tpu.memory_space<vmem>>, vector<16xf32>,
      %add3A_341 = arith.constant 112 : i32
      %add3A_342 = arith.addi %mul3A_251, %add3A_341 : i32
      %get3A_343 = arith.index_cast %add3A_342 : i32 to index
      %get3A_344 = tpu.vector_load %arg4[%get3A_343] {strides = array<i32>} : memref<8192xf32, #tpu.memory_space<vmem>>, vector<16xf32>,
      %get3A_345 = vector.shape_cast %get3A_344 : vector<16xf32> to vector<16xf32>
      %ge3A_346 = arith.cmpf oge, %get3A_345, %broadcast_in_dim3A_240 : vector<16xf32>
      %select_n3A_347 = arith.select %ge3A_346, %get3A_345, %broadcast_in_dim3A_242 : vector<16xi1>, vector<16xf32>
      %add3A_348 = arith.constant 112 : i32
      %add3A_349 = arith.addi %mul3A_251, %add3A_348 : i32
      %swap3A_350 = arith.index_cast %add3A_349 : i32 to index
      %swap3A_351 = tpu.vector_load %arg4[%swap3A_350] {strides = array<i32>} : memref<8192xf32, #tpu.memory_space<vmem>>, vector<16xf32>,
      %swap3A_352 = vector.shape_cast %swap3A_351 : vector<16xf32> to vector<16xf32>
      %swap3A_353 = vector.shape_cast %select_n3A_347 : vector<16xf32> to vector<16xf32>
      tpu.vector_store %arg4[%swap3A_350], %swap3A_353 {strides = array<i32>} : memref<8192xf32, #tpu.memory_space<vmem>>, vector<16xf32>,
    }
    %scan3A_248 = arith.constant 64 : i32
    "tpu.region"() ({
      %run_scoped3A = tpu.sem_alloc : memref<!tpu.dma_semaphore, #tpu.memory_space<semaphore_mem>>
      %dma_start3A = arith.constant 0 : i32
      %dma_start3A_249 = tpu.memref_slice %arg3[%add3A_122, %dma_start3A] : memref<64x8192xf32, #tpu.memory_space<hbm>> -> memref<1x8192xf32, #tpu.memory_space<hbm>>
      %dma_start3A_250 = tpu.memref_squeeze %dma_start3A_249 : memref<1x8192xf32, #tpu.memory_space<hbm>> -> memref<8192xf32, #tpu.memory_space<hbm>>
      %dma_start3A_251 = arith.constant 0 : i32
      %dma_start3A_252 = tpu.memref_slice %arg3[%add3A_122, %dma_start3A_251] : memref<64x8192xf32, #tpu.memory_space<hbm>> -> memref<1x8192xf32, #tpu.memory_space<hbm>>
      %dma_start3A_253 = tpu.memref_squeeze %dma_start3A_252 : memref<1x8192xf32, #tpu.memory_space<hbm>> -> memref<8192xf32, #tpu.memory_space<hbm>>
      tpu.enqueue_dma source(%arg4 : memref<8192xf32, #tpu.memory_space<vmem>>) target(%dma_start3A_253 : memref<8192xf32, #tpu.memory_space<hbm>>) target_semaphore(%run_scoped3A : memref<!tpu.dma_semaphore, #tpu.memory_space<semaphore_mem>>)
      %dma_wait3A = arith.constant 0 : i32
      %dma_wait3A_254 = tpu.memref_slice %arg3[%add3A_122, %dma_wait3A] : memref<64x8192xf32, #tpu.memory_space<hbm>> -> memref<1x8192xf32, #tpu.memory_space<hbm>>
      %dma_wait3A_255 = tpu.memref_squeeze %dma_wait3A_254 : memref<1x8192xf32, #tpu.memory_space<hbm>> -> memref<8192xf32, #tpu.memory_space<hbm>>
      %dma_wait3A_256 = arith.constant 0 : i32
      %dma_wait3A_257 = tpu.memref_slice %arg3[%add3A_122, %dma_wait3A_256] : memref<64x8192xf32, #tpu.memory_space<hbm>> -> memref<1x8192xf32, #tpu.memory_space<hbm>>
      %dma_wait3A_258 = tpu.memref_squeeze %dma_wait3A_257 : memref<1x8192xf32, #tpu.memory_space<hbm>> -> memref<8192xf32, #tpu.memory_space<hbm>>
      tpu.wait_dma2 semaphore(%run_scoped3A : memref<!tpu.dma_semaphore, #tpu.memory_space<semaphore_mem>>) src(%arg4 : memref<8192xf32, #tpu.memory_space<vmem>>) dst(%dma_wait3A_258 : memref<8192xf32, #tpu.memory_space<hbm>>)
      tpu.yield
    }) : () -> ()
    return
  }
}

</mosaic_0001>

<sc_bundles>
// kernel: kernel.3.cloned.1.call-start
scs
__scs_entry_jumppad:
0x0: {  	(pc) =	sbr.rel $0x88, $3  }
0x1: {  	(tag) =	ssettag $0x0;
	lr =	simm.s32 $0x1  }
0x2: {  	[smem:$0x3FA0] =	sst lr;
	_ =	strace $0xD0000000  }
0x3: {  	_ = 	snop  }
0x4: {  	_ = 	snop  }
0x5: {  	_ = 	snop  }
0x6: {  	_ = 	snop  }
0x7: {  	_ = 	snop  }
__scs_overlays_trampoline_lowered:
0x8: {  	[smem:$0x3FAF] =	sst s0  }
0x9: {  	[smem:$0x3FB0] =	sst s1  }
0xa: {  	[smem:$0x3FB1] =	sst s2  }
0xb: {  	[smem:$0x3FB2] =	sst s3  }
0xc: {  	[smem:$0x3FB3] =	sst s4  }
0xd: {  	[smem:$0x3FB4] =	sst s5  }
0xe: {  	[smem:$0x3FB5] =	sst s6  }
0xf: {  	[smem:$0x3FB6] =	sst s7  }
0x10: {  	[smem:$0x3FB7] =	sst s8  }
0x11: {  	[smem:$0x3FB8] =	sst s9;
	s0 =	simm.s32 @!p0 $0x0  }
0x12: {  	s1 =	sld [smem:$0x3F9E];
	s0 =	simm.s32 @p0 $0x1  }
0x13: {  	[smem:$0x3FB9] =	sst s0;
	s0 =	simm.s32 @!p1 $0x0  }
0x14: {  	s2 =	sld [smem:$0x3F9D];
	s0 =	simm.s32 @p1 $0x1  }
0x15: {  	[smem:$0x3FBA] =	sst s0;
	s0 =	simm.s32 @!p2 $0x0  }
0x16: {  	s3 =	sld [smem:$0x3FDB];
	s0 =	simm.s32 @p2 $0x1  }
0x17: {  	s4 =	simm.s32 $0x1BF5;
	[smem:$0x3FBC] =	sst s0  }
0x18: {  	s0 =	sld [smem:$0x3F9F];
	_ =	swait.ge [sflag:s4], $0x0  }
0x19: {  	s7 =	sld [smem:$0x3FA0]  }
0x1a: {  	s8 =	sadd.s32 $0xFFFFE003, lr  }
0x1b: {  	s9 =	sadd.s32 $0xFFFFFEF7, lr;
	s5 =	simm.s32 $0xFFFFFFFF;
	p2 =	slt.u32 s8, $0xFFFFF086  }
0x1c: {  	p1 =	slt.u32 s9, $0xF7A;
	s5 =	simm.s32 @!p2 $0x0  }
0x1d: {  	s5 =	simm.s32 @p1 $0x1;
	p0 =	seq.s32 s7, s2  }
0x1e: {  	s7 =	smul.u32 @!p0 $0xF7A, s2;
	p2 =	seq.s32 @!p0 s5, $0x0  }
0x1f: {  	s9 =	smul.u32 $0xF7A, s1;
	s8 =	simm.s32 @!p0 $0x1BF5;
	p2 =	por !p2, p0  }
0x20: {  	[sflag:s8] =	ssyncset.s32 @!p0 $0xFFFFF086;
	s6 =	sadd.s32 @!p0 s3, s7;
	s7 =	simm.s32 @!p0 $0x108  }
0x21: {  	s3 =	sadd.s32 s3, s9;
	s6 =	sadd.s32 @!p0 $0x88, s6;
	s7 =	simm.s32 @p2 $0x1082  }
0x22: {  	[simem:s7], [sflag:s8] =	dma.local @!p0 [hbm:s6], $0xF7A  }
0x23: {  	s9 =	sor.u32 $0xD0000000, s2;
	s6 =	simm.s32 $0x108;
	_ =	swait.ge @!p0 [sflag:s8], $0x0  }
0x24: {  	s3 =	sadd.s32 $0x88, s3;
	s6 =	simm.s32 @!p1 $0x1082;
	[sflag:s4] =	ssyncset.s32 $0xFFFFF086  }
0x25: {  	[simem:s6], [sflag:s4] =	dma.local [hbm:s3], $0xF7A  }
0x26: {  	[smem:$0x3FA0] =	sst s1;
	(tag) =	ssettag s2;
	_ =	strace s9  }
0x27: {  	s1 =	sld [smem:$0x3FB0]  }
0x28: {  	s2 =	sld [smem:$0x3FB1]  }
0x29: {  	s4 =	sld [smem:$0x3FB3]  }
0x2a: {  	p0 =	seq.s32 s5, $0x0;
	s5 =	sld [smem:$0x3FB4]  }
0x2b: {  	s6 =	sld [smem:$0x3FB5]  }
0x2c: {  	s7 =	sld [smem:$0x3FB6]  }
0x2d: {  	s3 =	simm.s32 $0x108;
	s8 =	sld [smem:$0x3FB7]  }
0x2e: {  	s3 =	simm.s32 @!p0 $0x1082;
	s9 =	sld [smem:$0x3FB8]  }
0x2f: {  	lr =	sadd.s32 s0, s3;
	s0 =	sld [smem:$0x3FAF]  }
0x30: {  	s3 =	sld [smem:$0x3FB2]  }
0x31: {  	[smem:$0x3FBB] =	sst s10  }
0x32: {  	s10 =	sld [smem:$0x3FB9];
	_ =	sdelay $0x3  }
0x33: {  	p0 =	seq.s32 s10, $0x1;
	s10 =	sld [smem:$0x3FBB];
	_ =	sdelay $0x3  }
0x34: {  	[smem:$0x3FBB] =	sst s10  }
0x35: {  	s10 =	sld [smem:$0x3FBA];
	_ =	sdelay $0x3  }
0x36: {  	p1 =	seq.s32 s10, $0x1;
	s10 =	sld [smem:$0x3FBB];
	_ =	sdelay $0x3  }
0x37: {  	[smem:$0x3FBB] =	sst s10  }
0x38: {  	s10 =	sld [smem:$0x3FBC]  }
0x39: {  	_ = 	snop;
	(pc) =	sbr.ind lr, $3  }
0x3a: {  	_ = 	snop  }
0x3b: {  	_ = 	snop  }
0x3c: {  	p2 =	seq.s32 s10, $0x1;
	s10 =	sld [smem:$0x3FBB]  }
0x3d: {  	_ =	shalt  }
0x3e: {  	_ =	shalt  }
0x3f: {  	_ =	shalt  }
0x40: {  	_ =	shalt  }
0x41: {  	_ =	shalt  }
0x42: {  	_ =	shalt  }
0x43: {  	_ =	shalt  }
0x44: {  	_ =	shalt  }
0x45: {  	_ =	shalt  }
0x46: {  	_ =	shalt  }
0x47: {  	_ =	shalt  }
0x48: {  	_ =	shalt  }
0x49: {  	_ =	shalt  }
0x4a: {  	_ =	shalt  }
0x4b: {  	_ =	shalt  }
0x4c: {  	_ =	shalt  }
0x4d: {  	_ =	shalt  }
0x4e: {  	_ =	shalt  }
0x4f: {  	_ =	shalt  }
0x50: {  	_ =	shalt  }
0x51: {  	_ =	shalt  }
0x52: {  	_ =	shalt  }
0x53: {  	_ =	shalt  }
0x54: {  	_ =	shalt  }
0x55: {  	_ =	shalt  }
0x56: {  	_ =	shalt  }
0x57: {  	_ =	shalt  }
0x58: {  	_ =	shalt  }
0x59: {  	_ =	shalt  }
0x5a: {  	_ =	shalt  }
0x5b: {  	_ =	shalt  }
0x5c: {  	_ =	shalt  }
0x5d: {  	_ =	shalt  }
0x5e: {  	_ =	shalt  }
0x5f: {  	_ =	shalt  }
0x60: {  	_ =	shalt  }
0x61: {  	_ =	shalt  }
0x62: {  	_ =	shalt  }
0x63: {  	_ =	shalt  }
0x64: {  	_ =	shalt  }
0x65: {  	_ =	shalt  }
0x66: {  	_ =	shalt  }
0x67: {  	_ =	shalt  }
0x68: {  	_ =	shalt  }
0x69: {  	_ =	shalt  }
0x6a: {  	_ =	shalt  }
0x6b: {  	_ =	shalt  }
0x6c: {  	_ =	shalt  }
0x6d: {  	_ =	shalt  }
0x6e: {  	_ =	shalt  }
0x6f: {  	_ =	shalt  }
0x70: {  	_ =	shalt  }
0x71: {  	_ =	shalt  }
0x72: {  	_ =	shalt  }
0x73: {  	_ =	shalt  }
0x74: {  	_ =	shalt  }
0x75: {  	_ =	shalt  }
0x76: {  	_ =	shalt  }
0x77: {  	_ =	shalt  }
0x78: {  	_ =	shalt  }
0x79: {  	_ =	shalt  }
0x7a: {  	_ =	shalt  }
0x7b: {  	_ =	shalt  }
0x7c: {  	_ =	shalt  }
0x7d: {  	_ =	shalt  }
0x7e: {  	_ =	shalt  }
0x7f: {  	_ =	shalt  }
0x80: {  	_ =	shalt  }
0x81: {  	_ =	shalt  }
0x82: {  	_ =	shalt  }
0x83: {  	_ =	shalt  }
0x84: {  	_ =	shalt  }
0x85: {  	_ =	shalt  }
0x86: {  	_ =	shalt  }
0x87: {  	_ =	shalt  }
.Lfunc_end0:
.L_simem_size_0:
called_computation_lowered:
.L_overlay_start_0:
0x88: {  	s2 =	sld [smem:$0x3FD9]  }
0x89: {  	s3 =	sld [smem:$0x3FFE];
	_ =	sdelay $0x1  }
0x8a: {  	s1 =	srdreg.scid  }
0x8b: {  	s0 =	sand.u32 $0x1, s1  }
0x8c: {  	s18 =	sshll.u32 s0, $0xA;
	s2 =	sadd.s32 s3, s2  }
0x8d: {  	s2 =	sadd.s32 s2, s18  }
0x8e: {  	[smem:$0x3FC7] =	sst s2  }
0x8f: {  	_ = 	snop  }
0x90: {  	s2 =	sld [smem:$0x3FC9]  }
0x91: {  	s19 =	sld [smem:$0x3FD0];
	(tm) =	ssettm $0x1  }
0x92: {  	s4 =	sld [smem:$0x3FFB];
	_ =	sdelay $0x3  }
0x93: {  	_ =	strace s4  }
0x94: {  	s4 =	sld [smem:$0x3FFC];
	_ =	sdelay $0x3  }
0x95: {  	_ =	strace s4  }
0x96: {  	s4 =	sld [smem:$0x3FFD];
	_ =	sdelay $0x3  }
0x97: {  	_ =	strace s4  }
0x98: {  	_ =	strace $0x8FFFFFFF  }
0x99: {  	s20 =	sld [smem:$0x3FDB];
	_ =	sdelay $0x1  }
0x9a: {  	s5 =	simm.s32 $_scs_section_size  }
0x9b: {  	s6 =	simm.s32 $_size__tile_overlayer_lowered;
	s7 =	simm.s32 $_tile_overlayer_lowered  }
0x9c: {  	s23 =	simm.s32 $0x1BFF;
	s22 =	sshll.u32 s7, $0x1;
	s4 =	sadd.s32 s5, s20  }
0x9d: {  	s8 =	simm.s32 $0x0;
	s21 =	sshll.u32 s6, $0x1;
	s6 =	sadd.s32 s22, s4  }
0x9e: {  	[timem:s8], [sflag:s23] =	dma.local [hbm:s6], s21  }
0x9f: {  	_ =	swait.ge [sflag:s23], s21  }
0xa0: {  	s5 =	ssub.s32 $0x0, s21;
	[sflag:s23] =	ssyncset.done $0x0  }
0xa1: {  	[sflag:s23] =	ssyncadd.s32 s5;
	_ =	sdelay $0x1  }
0xa2: {  	s24 =	simm.s32 $0x1B8B  }
0xa3: {  	_ =	swait.ge [sflag:s24], $0x1  }
0xa4: {  	[sflag:s24] =	ssyncset.done $0x0  }
0xa5: {  	s25 =	simm.s32 $0x1B8E;
	[sflag:s24] =	ssyncadd.s32 $0xFFFFFFFF  }
0xa6: {  	s26 =	simm.s32 $execute0_lowered;
	[smem:$0x3FD2] =	sst s25  }
0xa7: {  	s5 =	sshll.u32 s26, $0x1;
	_ =	strace $0x80000046;
	[dreg:$0x1] =	wrdreg $0xFFFFFFFF  }
0xa8: {  	s28 =	simm.s32 $_size_execute0_lowered;
	s4 =	sadd.s32 s4, s5;
	[dreg:$0x0] =	wrdreg $0x0  }
0xa9: {  	s5 =	sshll.u32 s28, $0x1;
	[dreg:$0x2] =	wrdreg s4  }
0xaa: {  	[dreg:$0x3] =	wrdreg s5  }
0xab: {  	[dreg:$0x4] =	wrdreg $0xC0  }
0xac: {  	_ =	task [dreg:s8], $0x5FFFF  }
0xad: {  	[dreg:$0x1] =	wrdreg $0xFFFFFFFF  }
0xae: {  	[dreg:$0x0] =	wrdreg $0x60  }
0xaf: {  	[dreg:$0x2] =	wrdreg s2  }
0xb0: {  	[dreg:$0x3] =	wrdreg s19  }
0xb1: {  	[dreg:$0x4] =	wrdreg $0x9  }
0xb2: {  	_ =	task.clear_ibuf [dreg:s8], $0x5FFFF;
	_ =	strace $0x90000046  }
0xb3: {  	s29 =	simm.s32 $0x9;
	_ =	strace $0x80000048  }
0xb4: {  	_ =	swait.ge [sflag:s29], $0x1  }
0xb5: {  	[sflag:s29] =	ssyncadd.s32 $0xFFFFFFFF  }
0xb6: {  	_ =	strace $0x90000048  }
0xb7: {  	_ =	sfence  }
0xb8: {  	s30 =	sld [smem:$0x0];
	_ =	sdelay $0x2  }
0xb9: {  	s31 =	sshll.u32 s1, $0xD;
	s1 =	sshrl.u32 s1, $0x2  }
0xba: {  	s3 =	sand.u32 $0x4000, s31;
	s1 =	sadd.s32 s1, s30  }
0xbb: {  	s0 =	sor.u32 s3, s0;
	s1 =	sshll.u32 s1, $0x11  }
0xbc: {  	s0 =	sor.u32 s1, s0  }
0xbd: {  	s0 =	sadd.s32 $0x8F2B, s0  }
0xbe: {  	[sflag:s0] =	ssyncadd.remote.s32 $0x1  }
0xbf: {  	_ =	sfence.sel $0xFFFF  }
0xc0: {  	[dreg:$0x0] =	wrdreg $0xFFFFFFFF;
	(pc) =	sbr.abs _section_cstart, $3  }
0xc1: {  	[dreg:$0x1] =	wrdreg $0xFFFFFFFF  }
0xc2: {  	_ =	task.clear_ibuf [dreg:s8], $0x2FFFF;
	_ =	strace $0x9FFFFFFF  }
0xc3: {  	(tm) =	ssettm $0x7FFFFFFF  }
tec
execute0_lowered:
.L_overlay_start_1:
0x0: {  	(tag) =	ssettag $0x1  }
0x1: {  	s5 =	rddreg [dreg:$0x0]  }
0x2: {  	s6 =	rddreg [dreg:$0x1]  }
0x3: {  	v0 =	vimm.s32 $0xEFCDAB89;
	v1 =	vimm.s32 $0x67452301;
	s0 =	rddreg [dreg:$0x2];
	v2 =	vimm.s32 $0xDCFE98BA  }
0x4: {  	s2 =	simm.s32 $0x0;
	s3 =	srdreg.scid;
	s1 =	stileid.u32;
	v3 =	vimm.s32 $0x54761032;
	v4 =	vimm.s32 $0xBA98FEDC;
	v5 =	vimm.s32 $0xFEDCBA98  }
0x5: {  	v6 =	vimm.s32 $0x32107654;
	v7 =	vimm.s32 $0x76543210;
	s9 =	simm.s32 $0x400;
	s10 =	simm.s32 $0x1;
	s11 =	simm.s32 $0x40000000;
	v0 =	vunpack.c.l.s4.s8 v0  }
0x6: {  	s12 =	simm.s32 $0x0;
	v1 =	vunpack.c.l.s4.s8 v1;
	s3 =	sand.u32 $0x1, s3;
	s4 =	sshll.u32 s1, $0x6;
	v2 =	vunpack.c.l.s4.s8 v2;
	v3 =	vunpack.c.l.s4.s8 v3  }
0x7: {  	s8 =	sshll.u32 s1, $0xC;
	v5 =	vunpack.c.l.s4.s8 v5;
	v4 =	vunpack.c.l.s4.s8 v4;
	v6 =	vunpack.c.l.s4.s8 v6;
	s7 =	sshll.u32 s3, $0x5;
	s4 =	sand.u32 $0x40, s4  }
0x8: {  	v7 =	vunpack.c.l.s4.s8 v7;
	s3 =	ssub.s32 $0x2, s3;
	s8 =	sand.u32 $0xE000, s8;
	v0 =	vunpack.c.0.s8.s32 v0;
	v1 =	vunpack.c.0.s8.s32 v1;
	s4 =	sor.u32 s7, s4  }
0x9: {  	[smem:$0x7FF] =	sst s2;
	s31 =	sshrl.u32 s3, $0x1;
	v2 =	vunpack.c.0.s8.s32 v2;
	v3 =	vunpack.c.0.s8.s32 v3;
	v5 =	vunpack.c.0.s8.s32 v5;
	s4 =	sor.u32 s8, s4  }
0xa: {  	_ =	strace $0x80000047;
	v4 =	vunpack.c.0.s8.s32 v4;
	v6 =	vunpack.c.0.s8.s32 v6;
	v7 =	vunpack.c.0.s8.s32 v7;
	s7 =	ssub.s32 s3, s31;
	s3 =	sadd.s32 s5, s4  }
0xb: {  	s8 =	sor.u32 $0x10, s4;
	s4 =	sadd.s32 s6, s4;
	v0 =	vcombine.low v1, v0;
	v1 =	vcombine.low v3, v2;
	s7 =	smax.u32 s7, $0x1;
	v5 =	vand.u32 $0xF, v5  }
0xc: {  	v2 =	vcombine.low v6, v4;
	v3 =	vimm.s32 $0x0;
	s5 =	sadd.s32 s5, s8;
	s6 =	sadd.s32 s6, s8;
	s8 =	simm.s32 $0x80;
	v4 =	vcombine.low v5, v7  }
.LBB2_1:
0xd: {  	[tilespmem:s2], [sflag:$0x1] =	stream.strided.gather [hbm4b:s3+s8], $0x2000, s9, s8, $0x38;
	[tilespmem:$0x2000] =	vst v63  }
0xe: {  	_ =	swait.ge [sflag:s10], $0x2000  }
0xf: {  	[sflag:s10] =	ssyncset.done $0x0  }
0x10: {  	s15 =	simm.s32 $0x0;
	[sflag:s10] =	ssyncadd.s32 $0xFFFFE000  }
0x11: {  	v5 =	vld [tilespmem:s15+$0x70]  }
0x12: {  	v6 =	vld [tilespmem:s15+$0x0];
	_ =	sdelay $0x1  }
0x13: {  	v7 =	vld [tilespmem:s15+$0x10]  }
0x14: {  	v12 =	vimm.s32 $0x0;
	v15 =	vld [tilespmem:s15+$0x20]  }
0x15: {  	v11 =	vimm.s32 $0x0;
	v10 =	vimm.s32 $0x0;
	v8 =	vimm.s32 $0x0;
	v13 =	vld [tilespmem:s15+$0x30]  }
0x16: {  	v9 =	vimm.s32 $0x0;
	v16 =	vld [tilespmem:s15+$0x40];
	vm0 =	vge.f32 v5, $0.0e+00;
	vm1 =	vge.f32 v6, $0.0e+00  }
0x17: {  	v14 =	vld [tilespmem:s15+$0x50];
	v6 =	vimm.s32 $0x0;
	v5 =	vsel vm0, $0x1, v3;
	v18 =	vsel vm1, $0x1, v3  }
0x18: {  	s13 =	simm.s32 $0x80;
	s14 =	simm.s32 $0x400;
	v17 =	vld [tilespmem:s15+$0x60];
	vm0 =	vge.f32 v7, $0.0e+00;
	v7 =	vimm.s32 $0x0;
	v5 =	vadd.s32 v5, v3  }
.LBB2_2:
0x19: {  	p0 =	sne.s32 s14, $0x7E00;
	v19 =	vld [tilespmem:s13+$0x70];
	v12 =	vadd.s32 v18, v12;
	v18 =	vsel vm0, $0x1, v3;
	vm0 =	vge.f32 v15, $0.0e+00  }
0x1a: {  	v20 =	vld [tilespmem:s13+$0x0];
	v11 =	vadd.s32 v18, v11;
	v15 =	vsel vm0, $0x1, v3;
	vm0 =	vge.f32 v13, $0.0e+00  }
0x1b: {  	v21 =	vld [tilespmem:s13+$0x10];
	v10 =	vadd.s32 v15, v10;
	v13 =	vsel vm0, $0x1, v3;
	vm0 =	vge.f32 v16, $0.0e+00  }
.Ltmp0:
0x1c: {  	v15 =	vld [tilespmem:s13+$0x20];
	v8 =	vadd.s32 v13, v8;
	v16 =	vsel vm0, $0x1, v3;
	vm0 =	vge.f32 v14, $0.0e+00;
	(pc) =	sbr.rel @p0 .LBB2_2-.Ltmp0, $4  }
0x1d: {  	v13 =	vld [tilespmem:s13+$0x30];
	v9 =	vadd.s32 v16, v9;
	v14 =	vsel vm0, $0x1, v3;
	vm0 =	vge.f32 v17, $0.0e+00  }
0x1e: {  	v16 =	vld [tilespmem:s13+$0x40];
	vm1 =	vge.f32 v19, $0.0e+00;
	v7 =	vadd.s32 v14, v7;
	v17 =	vsel vm0, $0x1, v3  }
0x1f: {  	vm0 =	vge.f32 v20, $0.0e+00;
	v14 =	vld [tilespmem:s13+$0x50];
	v19 =	vsel vm1, $0x1, v3;
	v6 =	vadd.s32 v17, v6  }
0x20: {  	v18 =	vsel vm0, $0x1, v3;
	vm0 =	vge.f32 v21, $0.0e+00;
	v17 =	vld [tilespmem:s13+$0x60];
	s13 =	sshra.s32 s14, $0x2;
	s14 =	sadd.s32 $0x200, s14;
	v5 =	vadd.s32 v19, v5  }
0x21: {  	v19 =	vld [tilespmem:s13+$0x70]  }
0x22: {  	v45 =	vld [tilespmem:s13+$0x0]  }
0x23: {  	v47 =	vld [tilespmem:s13+$0x10]  }
0x24: {  	v49 =	vld [tilespmem:s13+$0x20]  }
0x25: {  	v20 =	vsel vm0, $0x1, v3;
	v51 =	vld [tilespmem:s13+$0x30]  }
0x26: {  	v12 =	vadd.s32 v18, v12;
	vm4 =	vge.f32 v15, $0.0e+00;
	v53 =	vld [tilespmem:s13+$0x40];
	v11 =	vadd.s32 v20, v11  }
0x27: {  	v55 =	vld [tilespmem:s13+$0x50];
	v46 =	vsel vm4, $0x1, v3;
	vm5 =	vge.f32 v13, $0.0e+00;
	vm1 =	vge.f32 v16, $0.0e+00  }
0x28: {  	v57 =	vld [tilespmem:s13+$0x60];
	v10 =	vadd.s32 v46, v10;
	v48 =	vsel vm5, $0x1, v3;
	v50 =	vsel vm1, $0x1, v3  }
0x29: {  	v8 =	vadd.s32 v48, v8;
	vm6 =	vge.f32 v14, $0.0e+00;
	v9 =	vadd.s32 v50, v9  }
0x2a: {  	v52 =	vsel vm6, $0x1, v3;
	vm7 =	vge.f32 v17, $0.0e+00;
	vm8 =	vge.f32 v19, $0.0e+00  }
0x2b: {  	v7 =	vadd.s32 v52, v7;
	v54 =	vsel vm7, $0x1, v3;
	vm9 =	vge.f32 v45, $0.0e+00  }
0x2c: {  	vm10 =	vge.f32 v47, $0.0e+00;
	vm11 =	vge.f32 v49, $0.0e+00;
	vm12 =	vge.f32 v51, $0.0e+00  }
0x2d: {  	vm13 =	vge.f32 v53, $0.0e+00;
	vm14 =	vge.f32 v55, $0.0e+00;
	vm15 =	vge.f32 v57, $0.0e+00  }
0x2e: {  	v6 =	vadd.s32 v54, v6;
	v56 =	vsel vm9, $0x1, v3;
	v58 =	vsel vm10, $0x1, v3  }
0x2f: {  	v59 =	vsel vm11, $0x1, v3;
	v12 =	vadd.s32 v56, v12;
	v11 =	vadd.s32 v58, v11  }
0x30: {  	v14 =	vsel vm12, $0x1, v3;
	v10 =	vadd.s32 v59, v10;
	v11 =	vadd.s32 v12, v11  }
0x31: {  	v60 =	vsel vm13, $0x1, v3;
	v8 =	vadd.s32 v14, v8;
	v10 =	vadd.s32 v10, v11  }
0x32: {  	v61 =	vsel vm14, $0x1, v3;
	v9 =	vadd.s32 v60, v9;
	v8 =	vadd.s32 v8, v10  }
0x33: {  	v62 =	vsel vm15, $0x1, v3;
	v7 =	vadd.s32 v61, v7;
	v8 =	vadd.s32 v9, v8  }
0x34: {  	v63 =	vsel vm8, $0x1, v3;
	v6 =	vadd.s32 v62, v6;
	v7 =	vadd.s32 v7, v8  }
0x35: {  	v5 =	vadd.s32 v63, v5;
	v6 =	vadd.s32 v6, v7  }
0x36: {  	v5 =	vadd.s32 v5, v6  }
0x37: {  	v6 =	vperm.xlane v5, v0;
	_ =	sdelay $0x1  }
0x38: {  	v5 =	vadd.s32 v5, v6  }
0x39: {  	v6 =	vperm.xlane v5, v1;
	_ =	sdelay $0x1  }
0x3a: {  	v5 =	vadd.s32 v6, v5  }
0x3b: {  	v6 =	vperm.xlane v5, v2;
	_ =	sdelay $0x1  }
0x3c: {  	v5 =	vadd.s32 v6, v5  }
0x3d: {  	v6 =	vperm.xlane v5, v4;
	_ =	sdelay $0x1  }
0x3e: {  	v5 =	vadd.s32 v6, v5  }
0x3f: {  	(v2sf) =	vpush v5, $0x0;
	_ =	sdelay $0xe  }
0x40: {  	s31 =	spop (v2sf)  }
0x41: {  	s13 =	simm.s32 $0x0;
	p0 =	sgt.s32 s31, $0x666  }
0x42: {  	s14 =	simm.s32 $0x0;
	s13 =	simm.s32 @!p0 $0x80000000  }
.LBB2_4:
0x43: {  	s15 =	sshrl.u32 s11, s14;
	s18 =	simm.s32 $0x0  }
0x44: {  	s15 =	sor.u32 s15, s13;
	v6 =	vld [tilespmem:s18+$0x70]  }
0x45: {  	p0 =	slt.s32 s13, $0x0;
	v7 =	vld [tilespmem:s18+$0x0];
	s16 =	sxor.u32 $0x7FFFFFFF, s15;
	s17 =	smov.u32 s15  }
0x46: {  	s17 =	smov.u32 @p0 s16  }
0x47: {  	v8 =	vld [tilespmem:s18+$0x10];
	v5 =	vmov s17  }
0x48: {  	v10 =	vimm.s32 $0x0;
	v16 =	vld [tilespmem:s18+$0x20];
	v5 =	vbroadcast v5, $0x0  }
0x49: {  	v13 =	vimm.s32 $0x0;
	v12 =	vimm.s32 $0x0;
	v9 =	vimm.s32 $0x0;
	v14 =	vld [tilespmem:s18+$0x30]  }
0x4a: {  	v11 =	vimm.s32 $0x0;
	v17 =	vld [tilespmem:s18+$0x40];
	vm0 =	vge.f32 v6, v5;
	vm1 =	vge.f32 v7, v5  }
0x4b: {  	v15 =	vld [tilespmem:s18+$0x50];
	v7 =	vimm.s32 $0x0;
	v6 =	vsel vm0, $0x1, v3;
	v19 =	vsel vm1, $0x1, v3  }
0x4c: {  	v18 =	vld [tilespmem:s18+$0x60];
	s16 =	simm.s32 $0x80;
	s17 =	simm.s32 $0x400;
	vm0 =	vge.f32 v8, v5;
	v8 =	vimm.s32 $0x0;
	v6 =	vadd.s32 v6, v10  }
.LBB2_5:
0x4d: {  	p0 =	sne.s32 s17, $0x7E00;
	v20 =	vld [tilespmem:s16+$0x70];
	v10 =	vadd.s32 v19, v10;
	v19 =	vsel vm0, $0x1, v3;
	vm0 =	vge.f32 v16, v5  }
0x4e: {  	v21 =	vld [tilespmem:s16+$0x0];
	v13 =	vadd.s32 v19, v13;
	v16 =	vsel vm0, $0x1, v3;
	vm0 =	vge.f32 v14, v5  }
0x4f: {  	v22 =	vld [tilespmem:s16+$0x10];
	v12 =	vadd.s32 v16, v12;
	v14 =	vsel vm0, $0x1, v3;
	vm0 =	vge.f32 v17, v5  }
.Ltmp1:
0x50: {  	v16 =	vld [tilespmem:s16+$0x20];
	v9 =	vadd.s32 v14, v9;
	v17 =	vsel vm0, $0x1, v3;
	vm0 =	vge.f32 v15, v5;
	(pc) =	sbr.rel @p0 .LBB2_5-.Ltmp1, $4  }
0x51: {  	v14 =	vld [tilespmem:s16+$0x30];
	v11 =	vadd.s32 v17, v11;
	v15 =	vsel vm0, $0x1, v3;
	vm0 =	vge.f32 v18, v5  }
0x52: {  	v17 =	vld [tilespmem:s16+$0x40];
	vm1 =	vge.f32 v20, v5;
	v8 =	vadd.s32 v15, v8;
	v18 =	vsel vm0, $0x1, v3  }
0x53: {  	vm0 =	vge.f32 v21, v5;
	v15 =	vld [tilespmem:s16+$0x50];
	v20 =	vsel vm1, $0x1, v3;
	v7 =	vadd.s32 v18, v7  }
0x54: {  	v19 =	vsel vm0, $0x1, v3;
	vm0 =	vge.f32 v22, v5;
	v18 =	vld [tilespmem:s16+$0x60];
	s16 =	sshra.s32 s17, $0x2;
	s17 =	sadd.s32 $0x200, s17;
	v6 =	vadd.s32 v20, v6  }
0x55: {  	v20 =	vld [tilespmem:s16+$0x70]  }
0x56: {  	v45 =	vld [tilespmem:s16+$0x0]  }
0x57: {  	v47 =	vld [tilespmem:s16+$0x10]  }
0x58: {  	v49 =	vld [tilespmem:s16+$0x20]  }
0x59: {  	v21 =	vsel vm0, $0x1, v3;
	v51 =	vld [tilespmem:s16+$0x30]  }
0x5a: {  	v10 =	vadd.s32 v19, v10;
	vm4 =	vge.f32 v16, v5;
	v53 =	vld [tilespmem:s16+$0x40];
	v13 =	vadd.s32 v21, v13  }
0x5b: {  	v55 =	vld [tilespmem:s16+$0x50];
	v46 =	vsel vm4, $0x1, v3;
	vm5 =	vge.f32 v14, v5;
	vm1 =	vge.f32 v17, v5  }
0x5c: {  	v57 =	vld [tilespmem:s16+$0x60];
	v12 =	vadd.s32 v46, v12;
	v48 =	vsel vm5, $0x1, v3;
	v50 =	vsel vm1, $0x1, v3  }
0x5d: {  	v9 =	vadd.s32 v48, v9;
	vm6 =	vge.f32 v15, v5;
	v11 =	vadd.s32 v50, v11  }
0x5e: {  	v52 =	vsel vm6, $0x1, v3;
	vm7 =	vge.f32 v18, v5;
	vm8 =	vge.f32 v20, v5  }
0x5f: {  	v8 =	vadd.s32 v52, v8;
	v54 =	vsel vm7, $0x1, v3;
	vm9 =	vge.f32 v45, v5  }
0x60: {  	vm10 =	vge.f32 v47, v5;
	vm11 =	vge.f32 v49, v5;
	vm12 =	vge.f32 v51, v5  }
0x61: {  	vm13 =	vge.f32 v53, v5;
	vm14 =	vge.f32 v55, v5;
	vm15 =	vge.f32 v57, v5  }
0x62: {  	v7 =	vadd.s32 v54, v7;
	v56 =	vsel vm9, $0x1, v3;
	v58 =	vsel vm10, $0x1, v3  }
0x63: {  	v59 =	vsel vm11, $0x1, v3;
	v10 =	vadd.s32 v56, v10;
	v13 =	vadd.s32 v58, v13  }
0x64: {  	v15 =	vsel vm12, $0x1, v3;
	v12 =	vadd.s32 v59, v12;
	v10 =	vadd.s32 v10, v13  }
0x65: {  	v60 =	vsel vm13, $0x1, v3;
	v9 =	vadd.s32 v15, v9;
	v10 =	vadd.s32 v12, v10  }
0x66: {  	v61 =	vsel vm14, $0x1, v3;
	v11 =	vadd.s32 v60, v11;
	v5 =	vadd.s32 v9, v10  }
0x67: {  	v62 =	vsel vm15, $0x1, v3;
	v8 =	vadd.s32 v61, v8;
	v5 =	vadd.s32 v11, v5  }
0x68: {  	v63 =	vsel vm8, $0x1, v3;
	v7 =	vadd.s32 v62, v7;
	v5 =	vadd.s32 v8, v5  }
0x69: {  	v6 =	vadd.s32 v63, v6;
	v5 =	vadd.s32 v7, v5  }
0x6a: {  	v5 =	vadd.s32 v6, v5  }
0x6b: {  	v6 =	vperm.xlane v5, v0;
	_ =	sdelay $0x1  }
0x6c: {  	v5 =	vadd.s32 v5, v6  }
0x6d: {  	v6 =	vperm.xlane v5, v1;
	_ =	sdelay $0x1  }
0x6e: {  	v5 =	vadd.s32 v6, v5  }
0x6f: {  	v6 =	vperm.xlane v5, v2;
	_ =	sdelay $0x1  }
0x70: {  	v5 =	vadd.s32 v6, v5  }
0x71: {  	v6 =	vperm.xlane v5, v4;
	_ =	sdelay $0x1  }
0x72: {  	v5 =	vadd.s32 v6, v5  }
0x73: {  	(v2sf) =	vpush v5, $0x0;
	_ =	sdelay $0xa  }
0x74: {  	s14 =	sadd.s32 $0x1, s14  }
0x75: {  	p1 =	sne.s32 s14, $0x1F  }
.Ltmp2:
0x76: {  	_ = 	snop;
	(pc) =	sbr.rel @p1 .LBB2_4-.Ltmp2, $4  }
0x77: {  	_ = 	snop  }
0x78: {  	s31 =	spop (v2sf)  }
0x79: {  	p0 =	sgt.s32 s31, $0x666  }
0x7a: {  	s13 =	smov.u32 @p0 s15  }
0x7b: {  	s14 =	simm.s32 $0x0  }
0x7c: {  	p0 =	slt.s32 s13, $0x0;
	s15 =	sxor.u32 $0x7FFFFFFF, s13;
	v8 =	vld [tilespmem:s14+$0x0]  }
0x7d: {  	s13 =	smov.u32 @p0 s15;
	v11 =	vld [tilespmem:s14+$0x10]  }
0x7e: {  	v10 =	vld [tilespmem:s14+$0x20];
	v5 =	vmov s13  }
0x7f: {  	v9 =	vld [tilespmem:s14+$0x30];
	v5 =	vbroadcast v5, $0x0  }
0x80: {  	v6 =	vld [tilespmem:s14+$0x40]  }
0x81: {  	v7 =	vld [tilespmem:s14+$0x50];
	vm0 =	vge.f32 v8, v5  }
0x82: {  	s13 =	simm.s32 $0x200;
	v12 =	vnsel vm0, $0x0, v8;
	vm0 =	vge.f32 v11, v5;
	v8 =	vld [tilespmem:s14+$0x60]  }
.LBB2_8:
0x83: {  	s15 =	sshra.s32 s13, $0x2;
	p0 =	sne.s32 s13, $0x7E00;
	[tilespmem:s14+$0x0] =	vst v12;
	v11 =	vnsel vm0, $0x0, v11;
	vm0 =	vge.f32 v10, v5;
	v12 =	vld [tilespmem:s14+$0x70]  }
0x84: {  	v13 =	vld [tilespmem:s15+$0x0];
	[tilespmem:s14+$0x10] =	vst v11;
	v10 =	vnsel vm0, $0x0, v10;
	vm0 =	vge.f32 v9, v5  }
0x85: {  	v11 =	vld [tilespmem:s15+$0x10];
	[tilespmem:s14+$0x20] =	vst v10;
	v9 =	vnsel vm0, $0x0, v9;
	vm0 =	vge.f32 v6, v5  }
.Ltmp3:
0x86: {  	v10 =	vld [tilespmem:s15+$0x20];
	[tilespmem:s14+$0x30] =	vst v9;
	v6 =	vnsel vm0, $0x0, v6;
	vm0 =	vge.f32 v7, v5;
	(pc) =	sbr.rel @p0 .LBB2_8-.Ltmp3, $4  }
0x87: {  	v9 =	vld [tilespmem:s15+$0x30];
	[tilespmem:s14+$0x40] =	vst v6;
	v7 =	vnsel vm0, $0x0, v7;
	vm0 =	vge.f32 v8, v5  }
0x88: {  	v6 =	vld [tilespmem:s15+$0x40];
	[tilespmem:s14+$0x50] =	vst v7;
	v8 =	vnsel vm0, $0x0, v8;
	vm0 =	vge.f32 v12, v5  }
0x89: {  	vm1 =	vge.f32 v13, v5;
	v7 =	vld [tilespmem:s15+$0x50];
	[tilespmem:s14+$0x60] =	vst v8;
	v14 =	vnsel vm0, $0x0, v12  }
0x8a: {  	s13 =	sadd.s32 $0x200, s13;
	v12 =	vnsel vm1, $0x0, v13;
	vm0 =	vge.f32 v11, v5;
	v8 =	vld [tilespmem:s15+$0x60];
	[tilespmem:s14+$0x70] =	vst v14;
	s14 =	smov.u32 s15  }
0x8b: {  	[tilespmem:s14+$0x0] =	vst v12;
	v11 =	vnsel vm0, $0x0, v11;
	vm0 =	vge.f32 v10, v5;
	v12 =	vld [tilespmem:s14+$0x70]  }
0x8c: {  	[tilespmem:s14+$0x10] =	vst v11;
	v10 =	vnsel vm0, $0x0, v10;
	vm0 =	vge.f32 v9, v5  }
0x8d: {  	[tilespmem:s14+$0x20] =	vst v10;
	v9 =	vnsel vm0, $0x0, v9;
	vm0 =	vge.f32 v6, v5  }
0x8e: {  	[tilespmem:s14+$0x30] =	vst v9;
	v6 =	vnsel vm0, $0x0, v6;
	vm0 =	vge.f32 v7, v5  }
0x8f: {  	[tilespmem:s14+$0x40] =	vst v6;
	v6 =	vnsel vm0, $0x0, v7;
	vm0 =	vge.f32 v8, v5  }
0x90: {  	[tilespmem:s14+$0x50] =	vst v6;
	v6 =	vnsel vm0, $0x0, v8;
	vm0 =	vge.f32 v12, v5  }
0x91: {  	[tilespmem:s14+$0x60] =	vst v6;
	v5 =	vnsel vm0, $0x0, v12  }
0x92: {  	s13 =	simm.s32 $0x0;
	[tilespmem:s14+$0x70] =	vst v5  }
0x93: {  	[hbm4b:s4+s8] =	stream.strided.scatter [tilespmem:s13], [sflag:$0x1], $0x2000, s9, s8, $0x38;
	[tilespmem:$0x2000] =	vst v63  }
0x94: {  	_ =	swait.ge [sflag:s10], $0x2000  }
0x95: {  	[sflag:s10] =	ssyncset.done $0x0  }
0x96: {  	[sflag:s10] =	ssyncadd.s32 $0xFFFFE000  }
0x97: {  	[tilespmem:s13], [sflag:$0x1] =	stream.strided.gather [hbm4b:s5+s8], $0x2000, s9, s8, $0x38;
	[tilespmem:$0x2000] =	vst v63  }
0x98: {  	_ =	swait.ge [sflag:s10], $0x2000  }
0x99: {  	[sflag:s10] =	ssyncset.done $0x0  }
0x9a: {  	s15 =	simm.s32 $0x0;
	[sflag:s10] =	ssyncadd.s32 $0xFFFFE000  }
0x9b: {  	v5 =	vld [tilespmem:s15+$0x70]  }
0x9c: {  	v6 =	vld [tilespmem:s15+$0x0];
	_ =	sdelay $0x1  }
0x9d: {  	v7 =	vld [tilespmem:s15+$0x10]  }
0x9e: {  	v11 =	vimm.s32 $0x0;
	v15 =	vld [tilespmem:s15+$0x20]  }
0x9f: {  	v10 =	vimm.s32 $0x0;
	v9 =	vimm.s32 $0x0;
	v8 =	vimm.s32 $0x0;
	v13 =	vld [tilespmem:s15+$0x30]  }
0xa0: {  	v12 =	vimm.s32 $0x0;
	v16 =	vld [tilespmem:s15+$0x40];
	vm0 =	vge.f32 v5, $0.0e+00;
	vm1 =	vge.f32 v6, $0.0e+00  }
0xa1: {  	v14 =	vld [tilespmem:s15+$0x50];
	v6 =	vimm.s32 $0x0;
	v5 =	vsel vm0, $0x1, v3;
	v18 =	vsel vm1, $0x1, v3  }
0xa2: {  	s14 =	simm.s32 $0x400;
	s13 =	simm.s32 $0x80;
	v17 =	vld [tilespmem:s15+$0x60];
	vm0 =	vge.f32 v7, $0.0e+00;
	v7 =	vimm.s32 $0x0;
	v5 =	vadd.s32 v5, v9  }
.LBB2_10:
0xa3: {  	p0 =	sne.s32 s14, $0x7E00;
	v19 =	vld [tilespmem:s13+$0x70];
	v9 =	vadd.s32 v18, v9;
	v18 =	vsel vm0, $0x1, v3;
	vm0 =	vge.f32 v15, $0.0e+00  }
0xa4: {  	v20 =	vld [tilespmem:s13+$0x0];
	v12 =	vadd.s32 v18, v12;
	v15 =	vsel vm0, $0x1, v3;
	vm0 =	vge.f32 v13, $0.0e+00  }
0xa5: {  	v21 =	vld [tilespmem:s13+$0x10];
	v11 =	vadd.s32 v15, v11;
	v13 =	vsel vm0, $0x1, v3;
	vm0 =	vge.f32 v16, $0.0e+00  }
.Ltmp4:
0xa6: {  	v15 =	vld [tilespmem:s13+$0x20];
	v8 =	vadd.s32 v13, v8;
	v16 =	vsel vm0, $0x1, v3;
	vm0 =	vge.f32 v14, $0.0e+00;
	(pc) =	sbr.rel @p0 .LBB2_10-.Ltmp4, $4  }
0xa7: {  	v13 =	vld [tilespmem:s13+$0x30];
	v10 =	vadd.s32 v16, v10;
	v14 =	vsel vm0, $0x1, v3;
	vm0 =	vge.f32 v17, $0.0e+00  }
0xa8: {  	v16 =	vld [tilespmem:s13+$0x40];
	vm1 =	vge.f32 v19, $0.0e+00;
	v7 =	vadd.s32 v14, v7;
	v17 =	vsel vm0, $0x1, v3  }
0xa9: {  	vm0 =	vge.f32 v20, $0.0e+00;
	v14 =	vld [tilespmem:s13+$0x50];
	v19 =	vsel vm1, $0x1, v3;
	v6 =	vadd.s32 v17, v6  }
0xaa: {  	v18 =	vsel vm0, $0x1, v3;
	vm0 =	vge.f32 v21, $0.0e+00;
	v17 =	vld [tilespmem:s13+$0x60];
	s13 =	sshra.s32 s14, $0x2;
	s14 =	sadd.s32 $0x200, s14;
	v5 =	vadd.s32 v19, v5  }
0xab: {  	v19 =	vld [tilespmem:s13+$0x70]  }
0xac: {  	v45 =	vld [tilespmem:s13+$0x0]  }
0xad: {  	v47 =	vld [tilespmem:s13+$0x10]  }
0xae: {  	v49 =	vld [tilespmem:s13+$0x20]  }
0xaf: {  	v20 =	vsel vm0, $0x1, v3;
	v51 =	vld [tilespmem:s13+$0x30]  }
0xb0: {  	v9 =	vadd.s32 v18, v9;
	vm4 =	vge.f32 v15, $0.0e+00;
	v53 =	vld [tilespmem:s13+$0x40];
	v12 =	vadd.s32 v20, v12  }
0xb1: {  	v55 =	vld [tilespmem:s13+$0x50];
	v46 =	vsel vm4, $0x1, v3;
	vm5 =	vge.f32 v13, $0.0e+00;
	vm1 =	vge.f32 v16, $0.0e+00  }
0xb2: {  	v57 =	vld [tilespmem:s13+$0x60];
	v11 =	vadd.s32 v46, v11;
	v48 =	vsel vm5, $0x1, v3;
	v50 =	vsel vm1, $0x1, v3  }
0xb3: {  	v8 =	vadd.s32 v48, v8;
	vm6 =	vge.f32 v14, $0.0e+00;
	v10 =	vadd.s32 v50, v10  }
0xb4: {  	v52 =	vsel vm6, $0x1, v3;
	vm7 =	vge.f32 v17, $0.0e+00;
	vm8 =	vge.f32 v19, $0.0e+00  }
0xb5: {  	v7 =	vadd.s32 v52, v7;
	v54 =	vsel vm7, $0x1, v3;
	vm9 =	vge.f32 v45, $0.0e+00  }
0xb6: {  	vm10 =	vge.f32 v47, $0.0e+00;
	vm11 =	vge.f32 v49, $0.0e+00;
	vm12 =	vge.f32 v51, $0.0e+00  }
0xb7: {  	vm13 =	vge.f32 v53, $0.0e+00;
	vm14 =	vge.f32 v55, $0.0e+00;
	vm15 =	vge.f32 v57, $0.0e+00  }
0xb8: {  	v6 =	vadd.s32 v54, v6;
	v56 =	vsel vm9, $0x1, v3;
	v58 =	vsel vm10, $0x1, v3  }
0xb9: {  	v59 =	vsel vm11, $0x1, v3;
	v9 =	vadd.s32 v56, v9;
	v12 =	vadd.s32 v58, v12  }
0xba: {  	v14 =	vsel vm12, $0x1, v3;
	v11 =	vadd.s32 v59, v11;
	v9 =	vadd.s32 v9, v12  }
0xbb: {  	v60 =	vsel vm13, $0x1, v3;
	v8 =	vadd.s32 v14, v8;
	v9 =	vadd.s32 v11, v9  }
0xbc: {  	v61 =	vsel vm14, $0x1, v3;
	v10 =	vadd.s32 v60, v10;
	v8 =	vadd.s32 v8, v9  }
0xbd: {  	v62 =	vsel vm15, $0x1, v3;
	v7 =	vadd.s32 v61, v7;
	v8 =	vadd.s32 v10, v8  }
0xbe: {  	v63 =	vsel vm8, $0x1, v3;
	v6 =	vadd.s32 v62, v6;
	v7 =	vadd.s32 v7, v8  }
0xbf: {  	v5 =	vadd.s32 v63, v5;
	v6 =	vadd.s32 v6, v7  }
0xc0: {  	v5 =	vadd.s32 v5, v6  }
0xc1: {  	v6 =	vperm.xlane v5, v0;
	_ =	sdelay $0x1  }
0xc2: {  	v5 =	vadd.s32 v5, v6  }
0xc3: {  	v6 =	vperm.xlane v5, v1;
	_ =	sdelay $0x1  }
0xc4: {  	v5 =	vadd.s32 v6, v5  }
0xc5: {  	v6 =	vperm.xlane v5, v2;
	_ =	sdelay $0x1  }
0xc6: {  	v5 =	vadd.s32 v6, v5  }
0xc7: {  	v6 =	vperm.xlane v5, v4;
	_ =	sdelay $0x1  }
0xc8: {  	v5 =	vadd.s32 v6, v5  }
0xc9: {  	(v2sf) =	vpush v5, $0x0;
	_ =	sdelay $0xe  }
0xca: {  	s31 =	spop (v2sf)  }
0xcb: {  	s13 =	simm.s32 $0x0;
	p0 =	sgt.s32 s31, $0x666  }
0xcc: {  	s14 =	simm.s32 $0x0;
	s13 =	simm.s32 @!p0 $0x80000000  }
.LBB2_12:
0xcd: {  	s15 =	sshrl.u32 s11, s14;
	s18 =	simm.s32 $0x0  }
0xce: {  	s15 =	sor.u32 s15, s13;
	v6 =	vld [tilespmem:s18+$0x70]  }
0xcf: {  	p0 =	slt.s32 s13, $0x0;
	v7 =	vld [tilespmem:s18+$0x0];
	s16 =	sxor.u32 $0x7FFFFFFF, s15;
	s17 =	smov.u32 s15  }
0xd0: {  	s17 =	smov.u32 @p0 s16  }
0xd1: {  	v8 =	vld [tilespmem:s18+$0x10];
	v5 =	vmov s17  }
0xd2: {  	v10 =	vimm.s32 $0x0;
	v16 =	vld [tilespmem:s18+$0x20];
	v5 =	vbroadcast v5, $0x0  }
0xd3: {  	v13 =	vimm.s32 $0x0;
	v12 =	vimm.s32 $0x0;
	v9 =	vimm.s32 $0x0;
	v14 =	vld [tilespmem:s18+$0x30]  }
0xd4: {  	v11 =	vimm.s32 $0x0;
	v17 =	vld [tilespmem:s18+$0x40];
	vm0 =	vge.f32 v6, v5;
	vm1 =	vge.f32 v7, v5  }
0xd5: {  	v15 =	vld [tilespmem:s18+$0x50];
	v7 =	vimm.s32 $0x0;
	v6 =	vsel vm0, $0x1, v3;
	v19 =	vsel vm1, $0x1, v3  }
0xd6: {  	v18 =	vld [tilespmem:s18+$0x60];
	s16 =	simm.s32 $0x80;
	s17 =	simm.s32 $0x400;
	vm0 =	vge.f32 v8, v5;
	v8 =	vimm.s32 $0x0;
	v6 =	vadd.s32 v6, v10  }
.LBB2_13:
0xd7: {  	p0 =	sne.s32 s17, $0x7E00;
	v20 =	vld [tilespmem:s16+$0x70];
	v10 =	vadd.s32 v19, v10;
	v19 =	vsel vm0, $0x1, v3;
	vm0 =	vge.f32 v16, v5  }
0xd8: {  	v21 =	vld [tilespmem:s16+$0x0];
	v13 =	vadd.s32 v19, v13;
	v16 =	vsel vm0, $0x1, v3;
	vm0 =	vge.f32 v14, v5  }
0xd9: {  	v22 =	vld [tilespmem:s16+$0x10];
	v12 =	vadd.s32 v16, v12;
	v14 =	vsel vm0, $0x1, v3;
	vm0 =	vge.f32 v17, v5  }
.Ltmp5:
0xda: {  	v16 =	vld [tilespmem:s16+$0x20];
	v9 =	vadd.s32 v14, v9;
	v17 =	vsel vm0, $0x1, v3;
	vm0 =	vge.f32 v15, v5;
	(pc) =	sbr.rel @p0 .LBB2_13-.Ltmp5, $4  }
0xdb: {  	v14 =	vld [tilespmem:s16+$0x30];
	v11 =	vadd.s32 v17, v11;
	v15 =	vsel vm0, $0x1, v3;
	vm0 =	vge.f32 v18, v5  }
0xdc: {  	v17 =	vld [tilespmem:s16+$0x40];
	vm1 =	vge.f32 v20, v5;
	v8 =	vadd.s32 v15, v8;
	v18 =	vsel vm0, $0x1, v3  }
0xdd: {  	vm0 =	vge.f32 v21, v5;
	v15 =	vld [tilespmem:s16+$0x50];
	v20 =	vsel vm1, $0x1, v3;
	v7 =	vadd.s32 v18, v7  }
0xde: {  	v19 =	vsel vm0, $0x1, v3;
	vm0 =	vge.f32 v22, v5;
	v18 =	vld [tilespmem:s16+$0x60];
	s16 =	sshra.s32 s17, $0x2;
	s17 =	sadd.s32 $0x200, s17;
	v6 =	vadd.s32 v20, v6  }
0xdf: {  	v20 =	vld [tilespmem:s16+$0x70]  }
0xe0: {  	v45 =	vld [tilespmem:s16+$0x0]  }
0xe1: {  	v47 =	vld [tilespmem:s16+$0x10]  }
0xe2: {  	v49 =	vld [tilespmem:s16+$0x20]  }
0xe3: {  	v21 =	vsel vm0, $0x1, v3;
	v51 =	vld [tilespmem:s16+$0x30]  }
0xe4: {  	v10 =	vadd.s32 v19, v10;
	vm4 =	vge.f32 v16, v5;
	v53 =	vld [tilespmem:s16+$0x40];
	v13 =	vadd.s32 v21, v13  }
0xe5: {  	v55 =	vld [tilespmem:s16+$0x50];
	v46 =	vsel vm4, $0x1, v3;
	vm5 =	vge.f32 v14, v5;
	vm1 =	vge.f32 v17, v5  }
0xe6: {  	v57 =	vld [tilespmem:s16+$0x60];
	v12 =	vadd.s32 v46, v12;
	v48 =	vsel vm5, $0x1, v3;
	v50 =	vsel vm1, $0x1, v3  }
0xe7: {  	v9 =	vadd.s32 v48, v9;
	vm6 =	vge.f32 v15, v5;
	v11 =	vadd.s32 v50, v11  }
0xe8: {  	v52 =	vsel vm6, $0x1, v3;
	vm7 =	vge.f32 v18, v5;
	vm8 =	vge.f32 v20, v5  }
0xe9: {  	v8 =	vadd.s32 v52, v8;
	v54 =	vsel vm7, $0x1, v3;
	vm9 =	vge.f32 v45, v5  }
0xea: {  	vm10 =	vge.f32 v47, v5;
	vm11 =	vge.f32 v49, v5;
	vm12 =	vge.f32 v51, v5  }
0xeb: {  	vm13 =	vge.f32 v53, v5;
	vm14 =	vge.f32 v55, v5;
	vm15 =	vge.f32 v57, v5  }
0xec: {  	v7 =	vadd.s32 v54, v7;
	v56 =	vsel vm9, $0x1, v3;
	v58 =	vsel vm10, $0x1, v3  }
0xed: {  	v59 =	vsel vm11, $0x1, v3;
	v10 =	vadd.s32 v56, v10;
	v13 =	vadd.s32 v58, v13  }
0xee: {  	v15 =	vsel vm12, $0x1, v3;
	v12 =	vadd.s32 v59, v12;
	v10 =	vadd.s32 v10, v13  }
0xef: {  	v60 =	vsel vm13, $0x1, v3;
	v9 =	vadd.s32 v15, v9;
	v10 =	vadd.s32 v12, v10  }
0xf0: {  	v61 =	vsel vm14, $0x1, v3;
	v11 =	vadd.s32 v60, v11;
	v5 =	vadd.s32 v9, v10  }
0xf1: {  	v62 =	vsel vm15, $0x1, v3;
	v8 =	vadd.s32 v61, v8;
	v5 =	vadd.s32 v11, v5  }
0xf2: {  	v63 =	vsel vm8, $0x1, v3;
	v7 =	vadd.s32 v62, v7;
	v5 =	vadd.s32 v8, v5  }
0xf3: {  	v6 =	vadd.s32 v63, v6;
	v5 =	vadd.s32 v7, v5  }
0xf4: {  	v5 =	vadd.s32 v6, v5  }
0xf5: {  	v6 =	vperm.xlane v5, v0;
	_ =	sdelay $0x1  }
0xf6: {  	v5 =	vadd.s32 v5, v6  }
0xf7: {  	v6 =	vperm.xlane v5, v1;
	_ =	sdelay $0x1  }
0xf8: {  	v5 =	vadd.s32 v6, v5  }
0xf9: {  	v6 =	vperm.xlane v5, v2;
	_ =	sdelay $0x1  }
0xfa: {  	v5 =	vadd.s32 v6, v5  }
0xfb: {  	v6 =	vperm.xlane v5, v4;
	_ =	sdelay $0x1  }
0xfc: {  	v5 =	vadd.s32 v6, v5  }
0xfd: {  	(v2sf) =	vpush v5, $0x0;
	_ =	sdelay $0xa  }
0xfe: {  	s14 =	sadd.s32 $0x1, s14  }
0xff: {  	p1 =	sne.s32 s14, $0x1F  }
.Ltmp6:
0x100: {  	_ = 	snop;
	(pc) =	sbr.rel @p1 .LBB2_12-.Ltmp6, $4  }
0x101: {  	_ = 	snop  }
0x102: {  	s31 =	spop (v2sf)  }
0x103: {  	p0 =	sgt.s32 s31, $0x666  }
0x104: {  	s13 =	smov.u32 @p0 s15  }
0x105: {  	s14 =	simm.s32 $0x0  }
0x106: {  	p0 =	slt.s32 s13, $0x0;
	s15 =	sxor.u32 $0x7FFFFFFF, s13;
	v8 =	vld [tilespmem:s14+$0x0]  }
0x107: {  	s13 =	smov.u32 @p0 s15;
	v11 =	vld [tilespmem:s14+$0x10]  }
0x108: {  	v10 =	vld [tilespmem:s14+$0x20];
	v5 =	vmov s13  }
0x109: {  	v9 =	vld [tilespmem:s14+$0x30];
	v5 =	vbroadcast v5, $0x0  }
0x10a: {  	v6 =	vld [tilespmem:s14+$0x40]  }
0x10b: {  	v7 =	vld [tilespmem:s14+$0x50];
	vm0 =	vge.f32 v8, v5  }
0x10c: {  	s13 =	simm.s32 $0x200;
	v12 =	vnsel vm0, $0x0, v8;
	vm0 =	vge.f32 v11, v5;
	v8 =	vld [tilespmem:s14+$0x60]  }
.LBB2_16:
0x10d: {  	s15 =	sshra.s32 s13, $0x2;
	p0 =	sne.s32 s13, $0x7E00;
	[tilespmem:s14+$0x0] =	vst v12;
	v11 =	vnsel vm0, $0x0, v11;
	vm0 =	vge.f32 v10, v5;
	v12 =	vld [tilespmem:s14+$0x70]  }
0x10e: {  	v13 =	vld [tilespmem:s15+$0x0];
	[tilespmem:s14+$0x10] =	vst v11;
	v10 =	vnsel vm0, $0x0, v10;
	vm0 =	vge.f32 v9, v5  }
0x10f: {  	v11 =	vld [tilespmem:s15+$0x10];
	[tilespmem:s14+$0x20] =	vst v10;
	v9 =	vnsel vm0, $0x0, v9;
	vm0 =	vge.f32 v6, v5  }
.Ltmp7:
0x110: {  	v10 =	vld [tilespmem:s15+$0x20];
	[tilespmem:s14+$0x30] =	vst v9;
	v6 =	vnsel vm0, $0x0, v6;
	vm0 =	vge.f32 v7, v5;
	(pc) =	sbr.rel @p0 .LBB2_16-.Ltmp7, $4  }
0x111: {  	v9 =	vld [tilespmem:s15+$0x30];
	[tilespmem:s14+$0x40] =	vst v6;
	v7 =	vnsel vm0, $0x0, v7;
	vm0 =	vge.f32 v8, v5  }
0x112: {  	v6 =	vld [tilespmem:s15+$0x40];
	[tilespmem:s14+$0x50] =	vst v7;
	v8 =	vnsel vm0, $0x0, v8;
	vm0 =	vge.f32 v12, v5  }
0x113: {  	vm1 =	vge.f32 v13, v5;
	v7 =	vld [tilespmem:s15+$0x50];
	[tilespmem:s14+$0x60] =	vst v8;
	v14 =	vnsel vm0, $0x0, v12  }
0x114: {  	s13 =	sadd.s32 $0x200, s13;
	v12 =	vnsel vm1, $0x0, v13;
	vm0 =	vge.f32 v11, v5;
	v8 =	vld [tilespmem:s15+$0x60];
	[tilespmem:s14+$0x70] =	vst v14;
	s14 =	smov.u32 s15  }
0x115: {  	[tilespmem:s14+$0x0] =	vst v12;
	v11 =	vnsel vm0, $0x0, v11;
	vm10 =	vge.f32 v10, v5;
	v63 =	vld [tilespmem:s14+$0x70]  }
0x116: {  	[tilespmem:s14+$0x10] =	vst v11;
	v10 =	vnsel vm10, $0x0, v10;
	vm11 =	vge.f32 v9, v5  }
0x117: {  	[tilespmem:s14+$0x20] =	vst v10;
	v9 =	vnsel vm11, $0x0, v9;
	vm12 =	vge.f32 v6, v5  }
0x118: {  	[tilespmem:s14+$0x30] =	vst v9;
	v6 =	vnsel vm12, $0x0, v6;
	vm13 =	vge.f32 v7, v5  }
0x119: {  	[tilespmem:s14+$0x40] =	vst v6;
	v6 =	vnsel vm13, $0x0, v7;
	vm14 =	vge.f32 v8, v5  }
0x11a: {  	s12 =	sadd.s32 $0x1, s12;
	[tilespmem:s14+$0x50] =	vst v6;
	v6 =	vnsel vm14, $0x0, v8;
	vm15 =	vge.f32 v63, v5  }
0x11b: {  	p0 =	sne.s32 s12, s7;
	[tilespmem:s14+$0x60] =	vst v6;
	v5 =	vnsel vm15, $0x0, v63  }
.Ltmp8:
0x11c: {  	[tilespmem:s14+$0x70] =	vst v5;
	(pc) =	sbr.rel @p0 .LBB2_1-.Ltmp8, $4  }
0x11d: {  	[hbm4b:s6+s8] =	stream.strided.scatter [tilespmem:s2], [sflag:$0x1], $0x2000, s9, s8, $0x38;
	[tilespmem:$0x2000] =	vst v63  }
0x11e: {  	_ =	swait.ge [sflag:s10], $0x2000  }
0x11f: {  	[sflag:s10] =	ssyncset.done $0x0  }
0x120: {  	[sflag:s10] =	ssyncadd.s32 $0xFFFFE000  }
0x121: {  	_ =	sfence.sel $0x180000  }
0x122: {  	[bflag:$0x0] =	sbarrier.arrive $0xFFFF  }
0x123: {  	p0 =	sne.s32 s1, $0x0;
	_ =	strace $0x90000047  }
0x124: {  	s0 =	sadd.s32 @!p0 $0x100000, s0;
	[bflag:$0x2] =	sbarrier.arrive $0xFFFF  }
0x125: {  	[sflag:s0] =	ssyncadd.tile.s32 @!p0 $0x1;
	_ =	shalt  }
.Lfunc_end2:
_tile_overlayer_lowered:
.L_overlay_start_2:
0x126: {  	(tag) =	ssettag $0x2  }
0x127: {  	s0 =	rddreg [dreg:$0x0];
	s2 =	stileid.u32  }
0x128: {  	s1 =	rddreg [dreg:$0x1];
	p0 =	sne.s32 s2, $0x0  }
0x129: {  	s3 =	rddreg [dreg:$0x2];
	[bflag:$0x3] =	sbarrier.arrive $0xFFFF;
	s2 =	simm.s32 @!p0 $0x1C01  }
0x12a: {  	[timem:s3], [sflag:s2] =	dma.local @!p0 [hbm:s0], s1  }
0x12b: {  	s0 =	simm.s32 @!p0 $0x1  }
0x12c: {  	_ =	swait.ge @!p0 [sflag:s0], s1  }
0x12d: {  	s1 =	ssub.s32 @!p0 $0x0, s1;
	[sflag:s0] =	ssyncset.done @!p0 $0x0  }
0x12e: {  	[sflag:s0] =	ssyncadd.s32 @!p0 s1  }
0x12f: {  	[bflag:$0x3] =	sbarrier.arrive $0xFFFF  }
0x130: {  	_ =	shalt  }

</sc_bundles>
